<compile_context>
chip_gen: v7x
topology: tpu7x:2x2x1
jax: 0.10.2.dev20260603
libtpu: 0.0.44.dev20260713+nightly
codegen_flags: <defaults>
</compile_context>

<pallas_src>
import functools

import jax
import jax.numpy as jnp
from jax import lax
from jax.experimental import pallas as pl
from jax.experimental.pallas import tpu as pltpu
from jax.experimental.pallas import tpu_sc as plsc

E = 16
B = 2048
TILE = 256
NTILES = 32
PADN = NTILES * TILE
NC, NS = 2, 16
NW = NC * NS
TPW = B // NW


def _stage_a_body(x_ref, gw_ref, gb_ref,
                  pos0_ref, pos1_ref, wt1_ref, wt2_ref, teid_ref):
    b = x_ref.shape[0]
    lane = lax.broadcasted_iota(jnp.int32, (b, E), 1)
    gates = lax.dot_general(
        x_ref[...], gw_ref[...], (((1,), (1,)), ((), ())),
        preferred_element_type=jnp.float32) + gb_ref[...]
    m1 = jnp.max(gates, axis=1, keepdims=True)
    i1 = jnp.min(jnp.where(gates == m1, lane, E), axis=1, keepdims=True)
    masked = jnp.where(lane == i1, -jnp.inf, gates)
    m2 = jnp.max(masked, axis=1, keepdims=True)
    i2 = jnp.min(jnp.where(masked == m2, lane, E), axis=1, keepdims=True)
    wt1_ref[...] = jnp.broadcast_to(jax.nn.sigmoid(m1 - m2), (b, 128))
    wt2_ref[...] = jnp.broadcast_to(jax.nn.sigmoid(m2 - m1), (b, 128))

    oh0 = (lane == i1).astype(jnp.float32)
    oh1 = (lane == i2).astype(jnp.float32)
    s = oh0 + oh1

    r = lax.broadcasted_iota(jnp.int32, (TILE, TILE), 0)
    c = lax.broadcasted_iota(jnp.int32, (TILE, TILE), 1)
    tri = (r > c).astype(jnp.float32)
    nblk = b // TILE
    carry = jnp.zeros((1, E), jnp.float32)
    pparts = []
    for k in range(nblk):
        sblk = s[k * TILE:(k + 1) * TILE, :]
        pparts.append(
            lax.dot_general(tri, sblk, (((1,), (0,)), ((), ())),
                            preferred_element_type=jnp.float32) + carry)
        carry = carry + jnp.sum(sblk, axis=0, keepdims=True)
    p = jnp.concatenate(pparts, axis=0)

    cnt_pad = jnp.ceil(carry / TILE) * TILE
    r16 = lax.broadcasted_iota(jnp.int32, (E, E), 0)
    c16 = lax.broadcasted_iota(jnp.int32, (E, E), 1)
    ltri16 = (r16 < c16).astype(jnp.float32)
    opad = lax.dot_general(cnt_pad, ltri16, (((1,), (0,)), ((), ())),
                           preferred_element_type=jnp.float32)

    tgt = opad + p
    pos0_ref[...] = jnp.sum(oh0 * tgt, axis=1, keepdims=True).astype(jnp.int32)
    pos1_ref[...] = jnp.sum(oh1 * tgt, axis=1, keepdims=True).astype(jnp.int32)

    toff = (lax.broadcasted_iota(jnp.int32, (NTILES, E), 0) * TILE
            ).astype(jnp.float32)
    ge = (jnp.broadcast_to(opad, (NTILES, E)) <= toff).astype(jnp.float32)
    teid = jnp.sum(ge, axis=1, keepdims=True) - 1.0
    teid_ref[...] = jnp.clip(teid, 0.0, E - 1.0).astype(jnp.int32)


def _stage_a(x, gw, gb):
    b, d_in = x.shape
    return pl.pallas_call(
        _stage_a_body,
        in_specs=[
            pl.BlockSpec((b, d_in), lambda: (0, 0)),
            pl.BlockSpec((E, d_in), lambda: (0, 0)),
            pl.BlockSpec((1, E), lambda: (0, 0)),
        ],
        out_specs=[
            pl.BlockSpec((b, 1), lambda: (0, 0)),
            pl.BlockSpec((b, 1), lambda: (0, 0)),
            pl.BlockSpec((b, 128), lambda: (0, 0)),
            pl.BlockSpec((b, 128), lambda: (0, 0)),
            pl.BlockSpec((NTILES, 1), lambda: (0, 0)),
        ],
        out_shape=[
            jax.ShapeDtypeStruct((b, 1), jnp.int32),
            jax.ShapeDtypeStruct((b, 1), jnp.int32),
            jax.ShapeDtypeStruct((b, 128), jnp.float32),
            jax.ShapeDtypeStruct((b, 128), jnp.float32),
            jax.ShapeDtypeStruct((NTILES, 1), jnp.int32),
        ],
    )(x, gw, gb)


@functools.cache
def _stage_b_kernel():
    mesh = plsc.VectorSubcoreMesh(core_axis_name="c", subcore_axis_name="s")

    @functools.partial(
        pl.kernel, mesh=mesh,
        out_type=[
            jax.ShapeDtypeStruct((PADN, 768), jnp.float32),
            jax.ShapeDtypeStruct((PADN, 128), jnp.float32),
        ],
        scratch_types=[
            pltpu.VMEM((TPW,), jnp.int32),
            pltpu.VMEM((TPW,), jnp.int32),
            pltpu.VMEM((TPW,), jnp.int32),
            pltpu.VMEM((TPW, 768), jnp.float32),
            pltpu.VMEM((TPW, 128), jnp.float32),
            pltpu.VMEM((TPW, 128), jnp.float32),
            pltpu.SemaphoreType.DMA,
        ],
    )
    def _stage_b(x_hbm, pos0_hbm, pos1_hbm, wt1_hbm, wt2_hbm,
                 xs_hbm, wr_hbm,
                 tok_v, pos0_v, pos1_v, xbuf, wbuf0, wbuf1, sem):
        wid = lax.axis_index("s") * NC + lax.axis_index("c")
        base = wid * TPW
        for k in range(TPW // 16):
            tok_v[pl.ds(k * 16, 16)] = base + k * 16 + lax.iota(jnp.int32, 16)
        pltpu.sync_copy(pos0_hbm.at[pl.ds(base, TPW)], pos0_v)
        pltpu.sync_copy(pos1_hbm.at[pl.ds(base, TPW)], pos1_v)
        pltpu.sync_copy(wt1_hbm.at[pl.ds(base, TPW)], wbuf0)
        pltpu.sync_copy(wt2_hbm.at[pl.ds(base, TPW)], wbuf1)
        pltpu.async_copy(x_hbm.at[tok_v], xbuf, sem).wait()
        pltpu.async_copy(xbuf, xs_hbm.at[pos0_v], sem).wait()
        pltpu.async_copy(xbuf, xs_hbm.at[pos1_v], sem).wait()
        pltpu.async_copy(wbuf0, wr_hbm.at[pos0_v], sem).wait()
        pltpu.async_copy(wbuf1, wr_hbm.at[pos1_v], sem).wait()

    return _stage_b


def _stage_c_body(eid_ref, xs_ref, wr_ref, w1_ref, b1_ref, w2_ref, b2_ref,
                  ys_ref):
    h = lax.dot_general(
        xs_ref[...], w1_ref[0], (((1,), (1,)), ((), ())),
        preferred_element_type=jnp.float32) + b1_ref[0]
    h = jnp.maximum(h, 0.0)
    y = lax.dot_general(
        h, w2_ref[0], (((1,), (1,)), ((), ())),
        preferred_element_type=jnp.float32) + b2_ref[0]
    w_col = jnp.max(wr_ref[...], axis=1, keepdims=True)
    ys_ref[...] = jnp.maximum(y, 0.0) * w_col


def _stage_c(xs, wr, W1, b1, W2, b2, teid):
    d_in = W1.shape[2]
    d_h = W1.shape[1]
    d_out = W2.shape[1]
    grid_spec = pltpu.PrefetchScalarGridSpec(
        num_scalar_prefetch=1,
        grid=(NTILES,),
        in_specs=[
            pl.BlockSpec((TILE, d_in), lambda t, eid: (t, 0)),
            pl.BlockSpec((TILE, 128), lambda t, eid: (t, 0)),
            pl.BlockSpec((1, d_h, d_in), lambda t, eid: (eid[t], 0, 0)),
            pl.BlockSpec((1, 1, d_h), lambda t, eid: (eid[t], 0, 0)),
            pl.BlockSpec((1, d_out, d_h), lambda t, eid: (eid[t], 0, 0)),
            pl.BlockSpec((1, 1, d_out), lambda t, eid: (eid[t], 0, 0)),
        ],
        out_specs=pl.BlockSpec((TILE, d_out), lambda t, eid: (t, 0)),
    )
    return pl.pallas_call(
        _stage_c_body,
        grid_spec=grid_spec,
        out_shape=jax.ShapeDtypeStruct((PADN, d_out), jnp.float32),
        compiler_params=pltpu.CompilerParams(
            dimension_semantics=("arbitrary",)),
    )(teid, xs, wr, W1, b1[:, None, :], W2, b2[:, None, :])


@functools.cache
def _stage_d_kernel():
    mesh = plsc.VectorSubcoreMesh(core_axis_name="c", subcore_axis_name="s")

    @functools.partial(
        pl.kernel, mesh=mesh,
        out_type=jax.ShapeDtypeStruct((B, 768), jnp.float32),
        scratch_types=[
            pltpu.VMEM((TPW,), jnp.int32),
            pltpu.VMEM((TPW,), jnp.int32),
            pltpu.VMEM((TPW, 768), jnp.float32),
            pltpu.VMEM((TPW, 768), jnp.float32),
            pltpu.SemaphoreType.DMA,
        ],
    )
    def _stage_d(ys_hbm, pos0_hbm, pos1_hbm, out_hbm,
                 pos0_v, pos1_v, ybuf0, ybuf1, sem):
        wid = lax.axis_index("s") * NC + lax.axis_index("c")
        base = wid * TPW
        pltpu.sync_copy(pos0_hbm.at[pl.ds(base, TPW)], pos0_v)
        pltpu.sync_copy(pos1_hbm.at[pl.ds(base, TPW)], pos1_v)
        pltpu.async_copy(ys_hbm.at[pos0_v], ybuf0, sem).wait()
        pltpu.async_copy(ys_hbm.at[pos1_v], ybuf1, sem).wait()

        def row(i, _):
            for c in range(768 // 16):
                sl = pl.ds(c * 16, 16)
                ybuf0[i, sl] = ybuf0[i, sl] + ybuf1[i, sl]
            return _

        lax.fori_loop(0, TPW, row, None)
        pltpu.sync_copy(ybuf0, out_hbm.at[pl.ds(base, TPW)])

    return _stage_d


def kernel(x, gate_W, gate_b, W1, b1, W2, b2, data_task_label):
    task = data_task_label[0]
    gw = lax.dynamic_index_in_dim(gate_W, task, 0, keepdims=False)
    gb = lax.dynamic_index_in_dim(gate_b, task, 0, keepdims=True)
    pos0, pos1, wt1, wt2, teid = _stage_a(x, gw, gb)
    pos0 = pos0.reshape(B)
    pos1 = pos1.reshape(B)
    xs, wr = _stage_b_kernel()(x, pos0, pos1, wt1, wt2)
    ys = _stage_c(xs, wr, W1, b1, W2, b2, teid.reshape(NTILES))
    out = _stage_d_kernel()(ys, pos0, pos1)
    return out

# --- scband reference (transcript-rebuilt; emitter-appended) ---
"""Pipeline reference for scband-mixture-of-experts-85401129713915 (READ-ONLY COPY).

The authoritative reference and input builder live on the scoring server;
editing this copy changes nothing except your own understanding.
"""

import jax, jax.numpy as jnp
import numpy as np

E = 16
TOPK = 2
D_IN = 768
D_H = 512
D_OUT = 768
N_TASKS = 4
B = 2048


def setup_inputs(seed: int = 0) -> dict:
    key = jax.random.key(seed)
    ks = jax.random.split(key, 6)
    x = jax.random.normal(ks[0], (B, D_IN), dtype=jnp.float32)
    gate_W = jax.random.normal(ks[1], (N_TASKS, E, D_IN), dtype=jnp.float32) * (1.0 / np.sqrt(D_IN))
    gate_b = jnp.zeros((N_TASKS, E), dtype=jnp.float32)
    W1 = jax.random.normal(ks[2], (E, D_H, D_IN), dtype=jnp.float32) * (1.0 / np.sqrt(D_IN))
    b1 = jnp.zeros((E, D_H), dtype=jnp.float32)
    W2 = jax.random.normal(ks[3], (E, D_OUT, D_H), dtype=jnp.float32) * (1.0 / np.sqrt(D_H))
    b2 = jnp.zeros((E, D_OUT), dtype=jnp.float32)
    data_task_label = jnp.zeros((1,), dtype=jnp.int32)
    return {"x": x, "gate_W": gate_W, "gate_b": gate_b, "W1": W1, "b1": b1,
            "W2": W2, "b2": b2, "data_task_label": data_task_label}


def reference(x, gate_W, gate_b, W1, b1, W2, b2, data_task_label):
    task = data_task_label[0]
    n = x.shape[0]
    # task-specific gate: nn.Linear(input_dim, num_experts)
    gates = x @ jnp.take(gate_W, task, axis=0).T + jnp.take(gate_b, task, axis=0)  # [B, E]
    # SparseDispatcher: no shared experts, k_select = k = TOPK
    top_vals, top_idx = jax.lax.top_k(gates, TOPK)                # [B, TOPK]
    top_gates = jax.nn.softmax(top_vals, axis=1)                  # [B, TOPK]
    # convert_gate_values: dense [B, E] gate matrix, zeros for unselected experts
    rows = jnp.arange(n)[:, None]
    gate_dense = jnp.zeros((n, E), dtype=x.dtype).at[rows, top_idx].set(top_gates)
    # sample mask per expert (rows routed to that expert), as in get_expert_output
    mask = jnp.zeros((n, E), dtype=x.dtype).at[rows, top_idx].set(1.0)  # [B, E]
    # FFNExpert: relu(relu(x @ W1.T + b1) @ W2.T + b2); unrouted rows stay zero
    h = jax.nn.relu(jnp.einsum('bi,ehi->ebh', x, W1) + b1[:, None, :])        # [E, B, H]
    expert_out = jax.nn.relu(jnp.einsum('ebh,eoh->ebo', h, W2) + b2[:, None, :])  # [E, B, O]
    expert_out = expert_out * mask.T[:, :, None]
    # get_moe_output: einsum over stacked expert outputs weighted by dense gates
    moe_features = jnp.einsum('ebo,be->bo', expert_out, gate_dense)           # [B, O]
    return moe_features

if __name__ == "__main__":
    import jax
    _d = setup_inputs()
    print(jax.jit(kernel)(*tuple(_d.values())))

</pallas_src>

<mosaic_0001>
#map = affine_map<(d0, d1) -> (0, 0)>
#map1 = affine_map<(d0, d1) -> (0)>
module attributes {stable_mosaic.version = 14 : i64} {
  func.func @_stage_d(%arg0: i32, %arg1: i32, %arg2: memref<8192x768xf32, #tpu.memory_space<hbm>>, %arg3: memref<2048xi32, #tpu.memory_space<hbm>>, %arg4: memref<2048xi32, #tpu.memory_space<hbm>>, %arg5: memref<2048x768xf32, #tpu.memory_space<hbm>>, %arg6: memref<64xi32, #tpu.memory_space<vmem>>, %arg7: memref<64xi32, #tpu.memory_space<vmem>>, %arg8: memref<64x768xf32, #tpu.memory_space<vmem>>, %arg9: memref<64x768xf32, #tpu.memory_space<vmem>>, %arg10: memref<!tpu.dma_semaphore, #tpu.memory_space<semaphore_mem>>) attributes {dimension_semantics = [#tpu.dimension_semantics<core_parallel>, #tpu.dimension_semantics<subcore_parallel>], iteration_bounds = array<i64: 2, 16>, scalar_prefetch = 0 : i64, scratch_operands = 5 : i64, tpu.core_type = #tpu.core_type<sc_vector_subcore>, window_params = [{transform_indices = #map}, {transform_indices = #map1}, {transform_indices = #map1}, {transform_indices = #map}]} {
    %mul3A = arith.constant 2 : i32
    %mul3A_0 = arith.muli %arg1, %mul3A : i32
    %add3A = arith.addi %mul3A_0, %arg0 : i32
    %mul3A_1 = arith.constant 64 : i32
    %mul3A_2 = arith.muli %add3A, %mul3A_1 : i32
    "tpu.region"() ({
      %run_scoped3A = tpu.sem_alloc : memref<!tpu.dma_semaphore, #tpu.memory_space<semaphore_mem>>
      %dma_start3A_17 = tpu.memref_slice %arg3[%mul3A_2] : memref<2048xi32, #tpu.memory_space<hbm>> -> memref<64xi32, #tpu.memory_space<hbm>>
      %dma_start3A_18 = tpu.memref_slice %arg3[%mul3A_2] : memref<2048xi32, #tpu.memory_space<hbm>> -> memref<64xi32, #tpu.memory_space<hbm>>
      tpu.enqueue_dma source(%dma_start3A_18 : memref<64xi32, #tpu.memory_space<hbm>>) target(%arg6 : memref<64xi32, #tpu.memory_space<vmem>>) target_semaphore(%run_scoped3A : memref<!tpu.dma_semaphore, #tpu.memory_space<semaphore_mem>>)
      %dma_wait3A_19 = tpu.memref_slice %arg3[%mul3A_2] : memref<2048xi32, #tpu.memory_space<hbm>> -> memref<64xi32, #tpu.memory_space<hbm>>
      %dma_wait3A_20 = tpu.memref_slice %arg3[%mul3A_2] : memref<2048xi32, #tpu.memory_space<hbm>> -> memref<64xi32, #tpu.memory_space<hbm>>
      tpu.wait_dma2 semaphore(%run_scoped3A : memref<!tpu.dma_semaphore, #tpu.memory_space<semaphore_mem>>) src(%dma_wait3A_20 : memref<64xi32, #tpu.memory_space<hbm>>) dst(%arg6 : memref<64xi32, #tpu.memory_space<vmem>>)
      tpu.yield
    }) : () -> ()
    "tpu.region"() ({
      %run_scoped3A = tpu.sem_alloc : memref<!tpu.dma_semaphore, #tpu.memory_space<semaphore_mem>>
      %dma_start3A_17 = tpu.memref_slice %arg4[%mul3A_2] : memref<2048xi32, #tpu.memory_space<hbm>> -> memref<64xi32, #tpu.memory_space<hbm>>
      %dma_start3A_18 = tpu.memref_slice %arg4[%mul3A_2] : memref<2048xi32, #tpu.memory_space<hbm>> -> memref<64xi32, #tpu.memory_space<hbm>>
      tpu.enqueue_dma source(%dma_start3A_18 : memref<64xi32, #tpu.memory_space<hbm>>) target(%arg7 : memref<64xi32, #tpu.memory_space<vmem>>) target_semaphore(%run_scoped3A : memref<!tpu.dma_semaphore, #tpu.memory_space<semaphore_mem>>)
      %dma_wait3A_19 = tpu.memref_slice %arg4[%mul3A_2] : memref<2048xi32, #tpu.memory_space<hbm>> -> memref<64xi32, #tpu.memory_space<hbm>>
      %dma_wait3A_20 = tpu.memref_slice %arg4[%mul3A_2] : memref<2048xi32, #tpu.memory_space<hbm>> -> memref<64xi32, #tpu.memory_space<hbm>>
      tpu.wait_dma2 semaphore(%run_scoped3A : memref<!tpu.dma_semaphore, #tpu.memory_space<semaphore_mem>>) src(%dma_wait3A_20 : memref<64xi32, #tpu.memory_space<hbm>>) dst(%arg7 : memref<64xi32, #tpu.memory_space<vmem>>)
      tpu.yield
    }) : () -> ()
    %dma_start3A = arith.constant 0 : i32
    %dma_start3A_3 = arith.constant 0 : i32
    %dma_start3A_4 = tpu.memref_slice %arg2[%dma_start3A, %dma_start3A_3] : memref<8192x768xf32, #tpu.memory_space<hbm>> -> memref<8192x768xf32, #tpu.memory_space<hbm>>
    tpu.enqueue_indirect_dma source(%dma_start3A_4 : memref<8192x768xf32, #tpu.memory_space<hbm>>) target(%arg8 : memref<64x768xf32, #tpu.memory_space<vmem>>) offsets(%arg6 : memref<64xi32, #tpu.memory_space<vmem>>) semaphore(%arg10 : memref<!tpu.dma_semaphore, #tpu.memory_space<semaphore_mem>>)
    %dma_wait3A = arith.constant 0 : i32
    %dma_wait3A_5 = arith.constant 0 : i32
    %dma_wait3A_6 = tpu.memref_slice %arg2[%dma_wait3A, %dma_wait3A_5] : memref<8192x768xf32, #tpu.memory_space<hbm>> -> memref<8192x768xf32, #tpu.memory_space<hbm>>
    tpu.wait_indirect_dma semaphore(%arg10 : memref<!tpu.dma_semaphore, #tpu.memory_space<semaphore_mem>>) src(%dma_wait3A_6 : memref<8192x768xf32, #tpu.memory_space<hbm>>) dst(%arg8 : memref<64x768xf32, #tpu.memory_space<vmem>>)
    %dma_start3A_7 = arith.constant 0 : i32
    %dma_start3A_8 = arith.constant 0 : i32
    %dma_start3A_9 = tpu.memref_slice %arg2[%dma_start3A_7, %dma_start3A_8] : memref<8192x768xf32, #tpu.memory_space<hbm>> -> memref<8192x768xf32, #tpu.memory_space<hbm>>
    tpu.enqueue_indirect_dma source(%dma_start3A_9 : memref<8192x768xf32, #tpu.memory_space<hbm>>) target(%arg9 : memref<64x768xf32, #tpu.memory_space<vmem>>) offsets(%arg7 : memref<64xi32, #tpu.memory_space<vmem>>) semaphore(%arg10 : memref<!tpu.dma_semaphore, #tpu.memory_space<semaphore_mem>>)
    %dma_wait3A_10 = arith.constant 0 : i32
    %dma_wait3A_11 = arith.constant 0 : i32
    %dma_wait3A_12 = tpu.memref_slice %arg2[%dma_wait3A_10, %dma_wait3A_11] : memref<8192x768xf32, #tpu.memory_space<hbm>> -> memref<8192x768xf32, #tpu.memory_space<hbm>>
    tpu.wait_indirect_dma semaphore(%arg10 : memref<!tpu.dma_semaphore, #tpu.memory_space<semaphore_mem>>) src(%dma_wait3A_12 : memref<8192x768xf32, #tpu.memory_space<hbm>>) dst(%arg9 : memref<64x768xf32, #tpu.memory_space<vmem>>)
    %scan3A = arith.constant 0 : i32
    %scan3A_13 = arith.constant 64 : i32
    %scan3A_14 = arith.addi %scan3A, %scan3A_13 : i32
    %scan3A_15 = arith.constant 1 : i32
    scf.for %scan3A_17 = %scan3A to %scan3A_14 step %scan3A_15  : i32 {
      %get3A = arith.index_cast %scan3A_17 : i32 to index
      %get3A_18 = arith.constant 0 : index
      %get3A_19 = tpu.vector_load %arg8[%get3A, %get3A_18] {strides = array<i32>} : memref<64x768xf32, #tpu.memory_space<vmem>>, vector<1x16xf32>,
      %get3A_20 = vector.shape_cast %get3A_19 : vector<1x16xf32> to vector<16xf32>
      %get3A_21 = arith.index_cast %scan3A_17 : i32 to index
      %get3A_22 = arith.constant 0 : index
      %get3A_23 = tpu.vector_load %arg9[%get3A_21, %get3A_22] {strides = array<i32>} : memref<64x768xf32, #tpu.memory_space<vmem>>, vector<1x16xf32>,
      %get3A_24 = vector.shape_cast %get3A_23 : vector<1x16xf32> to vector<16xf32>
      %add3A_25 = arith.addf %get3A_20, %get3A_24 : vector<16xf32>
      %swap3A = arith.index_cast %scan3A_17 : i32 to index
      %swap3A_26 = arith.constant 0 : index
      %swap3A_27 = tpu.vector_load %arg8[%swap3A, %swap3A_26] {strides = array<i32>} : memref<64x768xf32, #tpu.memory_space<vmem>>, vector<1x16xf32>,
      %swap3A_28 = vector.shape_cast %swap3A_27 : vector<1x16xf32> to vector<16xf32>
      %swap3A_29 = vector.shape_cast %add3A_25 : vector<16xf32> to vector<1x16xf32>
      tpu.vector_store %arg8[%swap3A, %swap3A_26], %swap3A_29 {strides = array<i32>} : memref<64x768xf32, #tpu.memory_space<vmem>>, vector<1x16xf32>,
      %get3A_30 = arith.index_cast %scan3A_17 : i32 to index
      %get3A_31 = arith.constant 16 : index
      %get3A_32 = tpu.vector_load %arg8[%get3A_30, %get3A_31] {strides = array<i32>} : memref<64x768xf32, #tpu.memory_space<vmem>>, vector<1x16xf32>,
      %get3A_33 = vector.shape_cast %get3A_32 : vector<1x16xf32> to vector<16xf32>
      %get3A_34 = arith.index_cast %scan3A_17 : i32 to index
      %get3A_35 = arith.constant 16 : index
      %get3A_36 = tpu.vector_load %arg9[%get3A_34, %get3A_35] {strides = array<i32>} : memref<64x768xf32, #tpu.memory_space<vmem>>, vector<1x16xf32>,
      %get3A_37 = vector.shape_cast %get3A_36 : vector<1x16xf32> to vector<16xf32>
      %add3A_38 = arith.addf %get3A_33, %get3A_37 : vector<16xf32>
      %swap3A_39 = arith.index_cast %scan3A_17 : i32 to index
      %swap3A_40 = arith.constant 16 : index
      %swap3A_41 = tpu.vector_load %arg8[%swap3A_39, %swap3A_40] {strides = array<i32>} : memref<64x768xf32, #tpu.memory_space<vmem>>, vector<1x16xf32>,
      %swap3A_42 = vector.shape_cast %swap3A_41 : vector<1x16xf32> to vector<16xf32>
      %swap3A_43 = vector.shape_cast %add3A_38 : vector<16xf32> to vector<1x16xf32>
      tpu.vector_store %arg8[%swap3A_39, %swap3A_40], %swap3A_43 {strides = array<i32>} : memref<64x768xf32, #tpu.memory_space<vmem>>, vector<1x16xf32>,
      %get3A_44 = arith.index_cast %scan3A_17 : i32 to index
      %get3A_45 = arith.constant 32 : index
      %get3A_46 = tpu.vector_load %arg8[%get3A_44, %get3A_45] {strides = array<i32>} : memref<64x768xf32, #tpu.memory_space<vmem>>, vector<1x16xf32>,
      %get3A_47 = vector.shape_cast %get3A_46 : vector<1x16xf32> to vector<16xf32>
      %get3A_48 = arith.index_cast %scan3A_17 : i32 to index
      %get3A_49 = arith.constant 32 : index
      %get3A_50 = tpu.vector_load %arg9[%get3A_48, %get3A_49] {strides = array<i32>} : memref<64x768xf32, #tpu.memory_space<vmem>>, vector<1x16xf32>,
      %get3A_51 = vector.shape_cast %get3A_50 : vector<1x16xf32> to vector<16xf32>
      %add3A_52 = arith.addf %get3A_47, %get3A_51 : vector<16xf32>
      %swap3A_53 = arith.index_cast %scan3A_17 : i32 to index
      %swap3A_54 = arith.constant 32 : index
      %swap3A_55 = tpu.vector_load %arg8[%swap3A_53, %swap3A_54] {strides = array<i32>} : memref<64x768xf32, #tpu.memory_space<vmem>>, vector<1x16xf32>,
      %swap3A_56 = vector.shape_cast %swap3A_55 : vector<1x16xf32> to vector<16xf32>
      %swap3A_57 = vector.shape_cast %add3A_52 : vector<16xf32> to vector<1x16xf32>
      tpu.vector_store %arg8[%swap3A_53, %swap3A_54], %swap3A_57 {strides = array<i32>} : memref<64x768xf32, #tpu.memory_space<vmem>>, vector<1x16xf32>,
      %get3A_58 = arith.index_cast %scan3A_17 : i32 to index
      %get3A_59 = arith.constant 48 : index
      %get3A_60 = tpu.vector_load %arg8[%get3A_58, %get3A_59] {strides = array<i32>} : memref<64x768xf32, #tpu.memory_space<vmem>>, vector<1x16xf32>,
      %get3A_61 = vector.shape_cast %get3A_60 : vector<1x16xf32> to vector<16xf32>
      %get3A_62 = arith.index_cast %scan3A_17 : i32 to index
      %get3A_63 = arith.constant 48 : index
      %get3A_64 = tpu.vector_load %arg9[%get3A_62, %get3A_63] {strides = array<i32>} : memref<64x768xf32, #tpu.memory_space<vmem>>, vector<1x16xf32>,
      %get3A_65 = vector.shape_cast %get3A_64 : vector<1x16xf32> to vector<16xf32>
      %add3A_66 = arith.addf %get3A_61, %get3A_65 : vector<16xf32>
      %swap3A_67 = arith.index_cast %scan3A_17 : i32 to index
      %swap3A_68 = arith.constant 48 : index
      %swap3A_69 = tpu.vector_load %arg8[%swap3A_67, %swap3A_68] {strides = array<i32>} : memref<64x768xf32, #tpu.memory_space<vmem>>, vector<1x16xf32>,
      %swap3A_70 = vector.shape_cast %swap3A_69 : vector<1x16xf32> to vector<16xf32>
      %swap3A_71 = vector.shape_cast %add3A_66 : vector<16xf32> to vector<1x16xf32>
      tpu.vector_store %arg8[%swap3A_67, %swap3A_68], %swap3A_71 {strides = array<i32>} : memref<64x768xf32, #tpu.memory_space<vmem>>, vector<1x16xf32>,
      %get3A_72 = arith.index_cast %scan3A_17 : i32 to index
      %get3A_73 = arith.constant 64 : index
      %get3A_74 = tpu.vector_load %arg8[%get3A_72, %get3A_73] {strides = array<i32>} : memref<64x768xf32, #tpu.memory_space<vmem>>, vector<1x16xf32>,
      %get3A_75 = vector.shape_cast %get3A_74 : vector<1x16xf32> to vector<16xf32>
      %get3A_76 = arith.index_cast %scan3A_17 : i32 to index
      %get3A_77 = arith.constant 64 : index
      %get3A_78 = tpu.vector_load %arg9[%get3A_76, %get3A_77] {strides = array<i32>} : memref<64x768xf32, #tpu.memory_space<vmem>>, vector<1x16xf32>,
      %get3A_79 = vector.shape_cast %get3A_78 : vector<1x16xf32> to vector<16xf32>
      %add3A_80 = arith.addf %get3A_75, %get3A_79 : vector<16xf32>
      %swap3A_81 = arith.index_cast %scan3A_17 : i32 to index
      %swap3A_82 = arith.constant 64 : index
      %swap3A_83 = tpu.vector_load %arg8[%swap3A_81, %swap3A_82] {strides = array<i32>} : memref<64x768xf32, #tpu.memory_space<vmem>>, vector<1x16xf32>,
      %swap3A_84 = vector.shape_cast %swap3A_83 : vector<1x16xf32> to vector<16xf32>
      %swap3A_85 = vector.shape_cast %add3A_80 : vector<16xf32> to vector<1x16xf32>
      tpu.vector_store %arg8[%swap3A_81, %swap3A_82], %swap3A_85 {strides = array<i32>} : memref<64x768xf32, #tpu.memory_space<vmem>>, vector<1x16xf32>,
      %get3A_86 = arith.index_cast %scan3A_17 : i32 to index
      %get3A_87 = arith.constant 80 : index
      %get3A_88 = tpu.vector_load %arg8[%get3A_86, %get3A_87] {strides = array<i32>} : memref<64x768xf32, #tpu.memory_space<vmem>>, vector<1x16xf32>,
      %get3A_89 = vector.shape_cast %get3A_88 : vector<1x16xf32> to vector<16xf32>
      %get3A_90 = arith.index_cast %scan3A_17 : i32 to index
      %get3A_91 = arith.constant 80 : index
      %get3A_92 = tpu.vector_load %arg9[%get3A_90, %get3A_91] {strides = array<i32>} : memref<64x768xf32, #tpu.memory_space<vmem>>, vector<1x16xf32>,
      %get3A_93 = vector.shape_cast %get3A_92 : vector<1x16xf32> to vector<16xf32>
      %add3A_94 = arith.addf %get3A_89, %get3A_93 : vector<16xf32>
      %swap3A_95 = arith.index_cast %scan3A_17 : i32 to index
      %swap3A_96 = arith.constant 80 : index
      %swap3A_97 = tpu.vector_load %arg8[%swap3A_95, %swap3A_96] {strides = array<i32>} : memref<64x768xf32, #tpu.memory_space<vmem>>, vector<1x16xf32>,
      %swap3A_98 = vector.shape_cast %swap3A_97 : vector<1x16xf32> to vector<16xf32>
      %swap3A_99 = vector.shape_cast %add3A_94 : vector<16xf32> to vector<1x16xf32>
      tpu.vector_store %arg8[%swap3A_95, %swap3A_96], %swap3A_99 {strides = array<i32>} : memref<64x768xf32, #tpu.memory_space<vmem>>, vector<1x16xf32>,
      %get3A_100 = arith.index_cast %scan3A_17 : i32 to index
      %get3A_101 = arith.constant 96 : index
      %get3A_102 = tpu.vector_load %arg8[%get3A_100, %get3A_101] {strides = array<i32>} : memref<64x768xf32, #tpu.memory_space<vmem>>, vector<1x16xf32>,
      %get3A_103 = vector.shape_cast %get3A_102 : vector<1x16xf32> to vector<16xf32>
      %get3A_104 = arith.index_cast %scan3A_17 : i32 to index
      %get3A_105 = arith.constant 96 : index
      %get3A_106 = tpu.vector_load %arg9[%get3A_104, %get3A_105] {strides = array<i32>} : memref<64x768xf32, #tpu.memory_space<vmem>>, vector<1x16xf32>,
      %get3A_107 = vector.shape_cast %get3A_106 : vector<1x16xf32> to vector<16xf32>
      %add3A_108 = arith.addf %get3A_103, %get3A_107 : vector<16xf32>
      %swap3A_109 = arith.index_cast %scan3A_17 : i32 to index
      %swap3A_110 = arith.constant 96 : index
      %swap3A_111 = tpu.vector_load %arg8[%swap3A_109, %swap3A_110] {strides = array<i32>} : memref<64x768xf32, #tpu.memory_space<vmem>>, vector<1x16xf32>,
      %swap3A_112 = vector.shape_cast %swap3A_111 : vector<1x16xf32> to vector<16xf32>
      %swap3A_113 = vector.shape_cast %add3A_108 : vector<16xf32> to vector<1x16xf32>
      tpu.vector_store %arg8[%swap3A_109, %swap3A_110], %swap3A_113 {strides = array<i32>} : memref<64x768xf32, #tpu.memory_space<vmem>>, vector<1x16xf32>,
      %get3A_114 = arith.index_cast %scan3A_17 : i32 to index
      %get3A_115 = arith.constant 112 : index
      %get3A_116 = tpu.vector_load %arg8[%get3A_114, %get3A_115] {strides = array<i32>} : memref<64x768xf32, #tpu.memory_space<vmem>>, vector<1x16xf32>,
      %get3A_117 = vector.shape_cast %get3A_116 : vector<1x16xf32> to vector<16xf32>
      %get3A_118 = arith.index_cast %scan3A_17 : i32 to index
      %get3A_119 = arith.constant 112 : index
      %get3A_120 = tpu.vector_load %arg9[%get3A_118, %get3A_119] {strides = array<i32>} : memref<64x768xf32, #tpu.memory_space<vmem>>, vector<1x16xf32>,
      %get3A_121 = vector.shape_cast %get3A_120 : vector<1x16xf32> to vector<16xf32>
      %add3A_122 = arith.addf %get3A_117, %get3A_121 : vector<16xf32>
      %swap3A_123 = arith.index_cast %scan3A_17 : i32 to index
      %swap3A_124 = arith.constant 112 : index
      %swap3A_125 = tpu.vector_load %arg8[%swap3A_123, %swap3A_124] {strides = array<i32>} : memref<64x768xf32, #tpu.memory_space<vmem>>, vector<1x16xf32>,
      %swap3A_126 = vector.shape_cast %swap3A_125 : vector<1x16xf32> to vector<16xf32>
      %swap3A_127 = vector.shape_cast %add3A_122 : vector<16xf32> to vector<1x16xf32>
      tpu.vector_store %arg8[%swap3A_123, %swap3A_124], %swap3A_127 {strides = array<i32>} : memref<64x768xf32, #tpu.memory_space<vmem>>, vector<1x16xf32>,
      %get3A_128 = arith.index_cast %scan3A_17 : i32 to index
      %get3A_129 = arith.constant 128 : index
      %get3A_130 = tpu.vector_load %arg8[%get3A_128, %get3A_129] {strides = array<i32>} : memref<64x768xf32, #tpu.memory_space<vmem>>, vector<1x16xf32>,
      %get3A_131 = vector.shape_cast %get3A_130 : vector<1x16xf32> to vector<16xf32>
      %get3A_132 = arith.index_cast %scan3A_17 : i32 to index
      %get3A_133 = arith.constant 128 : index
      %get3A_134 = tpu.vector_load %arg9[%get3A_132, %get3A_133] {strides = array<i32>} : memref<64x768xf32, #tpu.memory_space<vmem>>, vector<1x16xf32>,
      %get3A_135 = vector.shape_cast %get3A_134 : vector<1x16xf32> to vector<16xf32>
      %add3A_136 = arith.addf %get3A_131, %get3A_135 : vector<16xf32>
      %swap3A_137 = arith.index_cast %scan3A_17 : i32 to index
      %swap3A_138 = arith.constant 128 : index
      %swap3A_139 = tpu.vector_load %arg8[%swap3A_137, %swap3A_138] {strides = array<i32>} : memref<64x768xf32, #tpu.memory_space<vmem>>, vector<1x16xf32>,
      %swap3A_140 = vector.shape_cast %swap3A_139 : vector<1x16xf32> to vector<16xf32>
      %swap3A_141 = vector.shape_cast %add3A_136 : vector<16xf32> to vector<1x16xf32>
      tpu.vector_store %arg8[%swap3A_137, %swap3A_138], %swap3A_141 {strides = array<i32>} : memref<64x768xf32, #tpu.memory_space<vmem>>, vector<1x16xf32>,
      %get3A_142 = arith.index_cast %scan3A_17 : i32 to index
      %get3A_143 = arith.constant 144 : index
      %get3A_144 = tpu.vector_load %arg8[%get3A_142, %get3A_143] {strides = array<i32>} : memref<64x768xf32, #tpu.memory_space<vmem>>, vector<1x16xf32>,
      %get3A_145 = vector.shape_cast %get3A_144 : vector<1x16xf32> to vector<16xf32>
      %get3A_146 = arith.index_cast %scan3A_17 : i32 to index
      %get3A_147 = arith.constant 144 : index
      %get3A_148 = tpu.vector_load %arg9[%get3A_146, %get3A_147] {strides = array<i32>} : memref<64x768xf32, #tpu.memory_space<vmem>>, vector<1x16xf32>,
      %get3A_149 = vector.shape_cast %get3A_148 : vector<1x16xf32> to vector<16xf32>
      %add3A_150 = arith.addf %get3A_145, %get3A_149 : vector<16xf32>
      %swap3A_151 = arith.index_cast %scan3A_17 : i32 to index
      %swap3A_152 = arith.constant 144 : index
      %swap3A_153 = tpu.vector_load %arg8[%swap3A_151, %swap3A_152] {strides = array<i32>} : memref<64x768xf32, #tpu.memory_space<vmem>>, vector<1x16xf32>,
      %swap3A_154 = vector.shape_cast %swap3A_153 : vector<1x16xf32> to vector<16xf32>
      %swap3A_155 = vector.shape_cast %add3A_150 : vector<16xf32> to vector<1x16xf32>
      tpu.vector_store %arg8[%swap3A_151, %swap3A_152], %swap3A_155 {strides = array<i32>} : memref<64x768xf32, #tpu.memory_space<vmem>>, vector<1x16xf32>,
      %get3A_156 = arith.index_cast %scan3A_17 : i32 to index
      %get3A_157 = arith.constant 160 : index
      %get3A_158 = tpu.vector_load %arg8[%get3A_156, %get3A_157] {strides = array<i32>} : memref<64x768xf32, #tpu.memory_space<vmem>>, vector<1x16xf32>,
      %get3A_159 = vector.shape_cast %get3A_158 : vector<1x16xf32> to vector<16xf32>
      %get3A_160 = arith.index_cast %scan3A_17 : i32 to index
      %get3A_161 = arith.constant 160 : index
      %get3A_162 = tpu.vector_load %arg9[%get3A_160, %get3A_161] {strides = array<i32>} : memref<64x768xf32, #tpu.memory_space<vmem>>, vector<1x16xf32>,
      %get3A_163 = vector.shape_cast %get3A_162 : vector<1x16xf32> to vector<16xf32>
      %add3A_164 = arith.addf %get3A_159, %get3A_163 : vector<16xf32>
      %swap3A_165 = arith.index_cast %scan3A_17 : i32 to index
      %swap3A_166 = arith.constant 160 : index
      %swap3A_167 = tpu.vector_load %arg8[%swap3A_165, %swap3A_166] {strides = array<i32>} : memref<64x768xf32, #tpu.memory_space<vmem>>, vector<1x16xf32>,
      %swap3A_168 = vector.shape_cast %swap3A_167 : vector<1x16xf32> to vector<16xf32>
      %swap3A_169 = vector.shape_cast %add3A_164 : vector<16xf32> to vector<1x16xf32>
      tpu.vector_store %arg8[%swap3A_165, %swap3A_166], %swap3A_169 {strides = array<i32>} : memref<64x768xf32, #tpu.memory_space<vmem>>, vector<1x16xf32>,
      %get3A_170 = arith.index_cast %scan3A_17 : i32 to index
      %get3A_171 = arith.constant 176 : index
      %get3A_172 = tpu.vector_load %arg8[%get3A_170, %get3A_171] {strides = array<i32>} : memref<64x768xf32, #tpu.memory_space<vmem>>, vector<1x16xf32>,
      %get3A_173 = vector.shape_cast %get3A_172 : vector<1x16xf32> to vector<16xf32>
      %get3A_174 = arith.index_cast %scan3A_17 : i32 to index
      %get3A_175 = arith.constant 176 : index
      %get3A_176 = tpu.vector_load %arg9[%get3A_174, %get3A_175] {strides = array<i32>} : memref<64x768xf32, #tpu.memory_space<vmem>>, vector<1x16xf32>,
      %get3A_177 = vector.shape_cast %get3A_176 : vector<1x16xf32> to vector<16xf32>
      %add3A_178 = arith.addf %get3A_173, %get3A_177 : vector<16xf32>
      %swap3A_179 = arith.index_cast %scan3A_17 : i32 to index
      %swap3A_180 = arith.constant 176 : index
      %swap3A_181 = tpu.vector_load %arg8[%swap3A_179, %swap3A_180] {strides = array<i32>} : memref<64x768xf32, #tpu.memory_space<vmem>>, vector<1x16xf32>,
      %swap3A_182 = vector.shape_cast %swap3A_181 : vector<1x16xf32> to vector<16xf32>
      %swap3A_183 = vector.shape_cast %add3A_178 : vector<16xf32> to vector<1x16xf32>
      tpu.vector_store %arg8[%swap3A_179, %swap3A_180], %swap3A_183 {strides = array<i32>} : memref<64x768xf32, #tpu.memory_space<vmem>>, vector<1x16xf32>,
      %get3A_184 = arith.index_cast %scan3A_17 : i32 to index
      %get3A_185 = arith.constant 192 : index
      %get3A_186 = tpu.vector_load %arg8[%get3A_184, %get3A_185] {strides = array<i32>} : memref<64x768xf32, #tpu.memory_space<vmem>>, vector<1x16xf32>,
      %get3A_187 = vector.shape_cast %get3A_186 : vector<1x16xf32> to vector<16xf32>
      %get3A_188 = arith.index_cast %scan3A_17 : i32 to index
      %get3A_189 = arith.constant 192 : index
      %get3A_190 = tpu.vector_load %arg9[%get3A_188, %get3A_189] {strides = array<i32>} : memref<64x768xf32, #tpu.memory_space<vmem>>, vector<1x16xf32>,
      %get3A_191 = vector.shape_cast %get3A_190 : vector<1x16xf32> to vector<16xf32>
      %add3A_192 = arith.addf %get3A_187, %get3A_191 : vector<16xf32>
      %swap3A_193 = arith.index_cast %scan3A_17 : i32 to index
      %swap3A_194 = arith.constant 192 : index
      %swap3A_195 = tpu.vector_load %arg8[%swap3A_193, %swap3A_194] {strides = array<i32>} : memref<64x768xf32, #tpu.memory_space<vmem>>, vector<1x16xf32>,
      %swap3A_196 = vector.shape_cast %swap3A_195 : vector<1x16xf32> to vector<16xf32>
      %swap3A_197 = vector.shape_cast %add3A_192 : vector<16xf32> to vector<1x16xf32>
      tpu.vector_store %arg8[%swap3A_193, %swap3A_194], %swap3A_197 {strides = array<i32>} : memref<64x768xf32, #tpu.memory_space<vmem>>, vector<1x16xf32>,
      %get3A_198 = arith.index_cast %scan3A_17 : i32 to index
      %get3A_199 = arith.constant 208 : index
      %get3A_200 = tpu.vector_load %arg8[%get3A_198, %get3A_199] {strides = array<i32>} : memref<64x768xf32, #tpu.memory_space<vmem>>, vector<1x16xf32>,
      %get3A_201 = vector.shape_cast %get3A_200 : vector<1x16xf32> to vector<16xf32>
      %get3A_202 = arith.index_cast %scan3A_17 : i32 to index
      %get3A_203 = arith.constant 208 : index
      %get3A_204 = tpu.vector_load %arg9[%get3A_202, %get3A_203] {strides = array<i32>} : memref<64x768xf32, #tpu.memory_space<vmem>>, vector<1x16xf32>,
      %get3A_205 = vector.shape_cast %get3A_204 : vector<1x16xf32> to vector<16xf32>
      %add3A_206 = arith.addf %get3A_201, %get3A_205 : vector<16xf32>
      %swap3A_207 = arith.index_cast %scan3A_17 : i32 to index
      %swap3A_208 = arith.constant 208 : index
      %swap3A_209 = tpu.vector_load %arg8[%swap3A_207, %swap3A_208] {strides = array<i32>} : memref<64x768xf32, #tpu.memory_space<vmem>>, vector<1x16xf32>,
      %swap3A_210 = vector.shape_cast %swap3A_209 : vector<1x16xf32> to vector<16xf32>
      %swap3A_211 = vector.shape_cast %add3A_206 : vector<16xf32> to vector<1x16xf32>
      tpu.vector_store %arg8[%swap3A_207, %swap3A_208], %swap3A_211 {strides = array<i32>} : memref<64x768xf32, #tpu.memory_space<vmem>>, vector<1x16xf32>,
      %get3A_212 = arith.index_cast %scan3A_17 : i32 to index
      %get3A_213 = arith.constant 224 : index
      %get3A_214 = tpu.vector_load %arg8[%get3A_212, %get3A_213] {strides = array<i32>} : memref<64x768xf32, #tpu.memory_space<vmem>>, vector<1x16xf32>,
      %get3A_215 = vector.shape_cast %get3A_214 : vector<1x16xf32> to vector<16xf32>
      %get3A_216 = arith.index_cast %scan3A_17 : i32 to index
      %get3A_217 = arith.constant 224 : index
      %get3A_218 = tpu.vector_load %arg9[%get3A_216, %get3A_217] {strides = array<i32>} : memref<64x768xf32, #tpu.memory_space<vmem>>, vector<1x16xf32>,
      %get3A_219 = vector.shape_cast %get3A_218 : vector<1x16xf32> to vector<16xf32>
      %add3A_220 = arith.addf %get3A_215, %get3A_219 : vector<16xf32>
      %swap3A_221 = arith.index_cast %scan3A_17 : i32 to index
      %swap3A_222 = arith.constant 224 : index
      %swap3A_223 = tpu.vector_load %arg8[%swap3A_221, %swap3A_222] {strides = array<i32>} : memref<64x768xf32, #tpu.memory_space<vmem>>, vector<1x16xf32>,
      %swap3A_224 = vector.shape_cast %swap3A_223 : vector<1x16xf32> to vector<16xf32>
      %swap3A_225 = vector.shape_cast %add3A_220 : vector<16xf32> to vector<1x16xf32>
      tpu.vector_store %arg8[%swap3A_221, %swap3A_222], %swap3A_225 {strides = array<i32>} : memref<64x768xf32, #tpu.memory_space<vmem>>, vector<1x16xf32>,
      %get3A_226 = arith.index_cast %scan3A_17 : i32 to index
      %get3A_227 = arith.constant 240 : index
      %get3A_228 = tpu.vector_load %arg8[%get3A_226, %get3A_227] {strides = array<i32>} : memref<64x768xf32, #tpu.memory_space<vmem>>, vector<1x16xf32>,
      %get3A_229 = vector.shape_cast %get3A_228 : vector<1x16xf32> to vector<16xf32>
      %get3A_230 = arith.index_cast %scan3A_17 : i32 to index
      %get3A_231 = arith.constant 240 : index
      %get3A_232 = tpu.vector_load %arg9[%get3A_230, %get3A_231] {strides = array<i32>} : memref<64x768xf32, #tpu.memory_space<vmem>>, vector<1x16xf32>,
      %get3A_233 = vector.shape_cast %get3A_232 : vector<1x16xf32> to vector<16xf32>
      %add3A_234 = arith.addf %get3A_229, %get3A_233 : vector<16xf32>
      %swap3A_235 = arith.index_cast %scan3A_17 : i32 to index
      %swap3A_236 = arith.constant 240 : index
      %swap3A_237 = tpu.vector_load %arg8[%swap3A_235, %swap3A_236] {strides = array<i32>} : memref<64x768xf32, #tpu.memory_space<vmem>>, vector<1x16xf32>,
      %swap3A_238 = vector.shape_cast %swap3A_237 : vector<1x16xf32> to vector<16xf32>
      %swap3A_239 = vector.shape_cast %add3A_234 : vector<16xf32> to vector<1x16xf32>
      tpu.vector_store %arg8[%swap3A_235, %swap3A_236], %swap3A_239 {strides = array<i32>} : memref<64x768xf32, #tpu.memory_space<vmem>>, vector<1x16xf32>,
      %get3A_240 = arith.index_cast %scan3A_17 : i32 to index
      %get3A_241 = arith.constant 256 : index
      %get3A_242 = tpu.vector_load %arg8[%get3A_240, %get3A_241] {strides = array<i32>} : memref<64x768xf32, #tpu.memory_space<vmem>>, vector<1x16xf32>,
      %get3A_243 = vector.shape_cast %get3A_242 : vector<1x16xf32> to vector<16xf32>
      %get3A_244 = arith.index_cast %scan3A_17 : i32 to index
      %get3A_245 = arith.constant 256 : index
      %get3A_246 = tpu.vector_load %arg9[%get3A_244, %get3A_245] {strides = array<i32>} : memref<64x768xf32, #tpu.memory_space<vmem>>, vector<1x16xf32>,
      %get3A_247 = vector.shape_cast %get3A_246 : vector<1x16xf32> to vector<16xf32>
      %add3A_248 = arith.addf %get3A_243, %get3A_247 : vector<16xf32>
      %swap3A_249 = arith.index_cast %scan3A_17 : i32 to index
      %swap3A_250 = arith.constant 256 : index
      %swap3A_251 = tpu.vector_load %arg8[%swap3A_249, %swap3A_250] {strides = array<i32>} : memref<64x768xf32, #tpu.memory_space<vmem>>, vector<1x16xf32>,
      %swap3A_252 = vector.shape_cast %swap3A_251 : vector<1x16xf32> to vector<16xf32>
      %swap3A_253 = vector.shape_cast %add3A_248 : vector<16xf32> to vector<1x16xf32>
      tpu.vector_store %arg8[%swap3A_249, %swap3A_250], %swap3A_253 {strides = array<i32>} : memref<64x768xf32, #tpu.memory_space<vmem>>, vector<1x16xf32>,
      %get3A_254 = arith.index_cast %scan3A_17 : i32 to index
      %get3A_255 = arith.constant 272 : index
      %get3A_256 = tpu.vector_load %arg8[%get3A_254, %get3A_255] {strides = array<i32>} : memref<64x768xf32, #tpu.memory_space<vmem>>, vector<1x16xf32>,
      %get3A_257 = vector.shape_cast %get3A_256 : vector<1x16xf32> to vector<16xf32>
      %get3A_258 = arith.index_cast %scan3A_17 : i32 to index
      %get3A_259 = arith.constant 272 : index
      %get3A_260 = tpu.vector_load %arg9[%get3A_258, %get3A_259] {strides = array<i32>} : memref<64x768xf32, #tpu.memory_space<vmem>>, vector<1x16xf32>,
      %get3A_261 = vector.shape_cast %get3A_260 : vector<1x16xf32> to vector<16xf32>
      %add3A_262 = arith.addf %get3A_257, %get3A_261 : vector<16xf32>
      %swap3A_263 = arith.index_cast %scan3A_17 : i32 to index
      %swap3A_264 = arith.constant 272 : index
      %swap3A_265 = tpu.vector_load %arg8[%swap3A_263, %swap3A_264] {strides = array<i32>} : memref<64x768xf32, #tpu.memory_space<vmem>>, vector<1x16xf32>,
      %swap3A_266 = vector.shape_cast %swap3A_265 : vector<1x16xf32> to vector<16xf32>
      %swap3A_267 = vector.shape_cast %add3A_262 : vector<16xf32> to vector<1x16xf32>
      tpu.vector_store %arg8[%swap3A_263, %swap3A_264], %swap3A_267 {strides = array<i32>} : memref<64x768xf32, #tpu.memory_space<vmem>>, vector<1x16xf32>,
      %get3A_268 = arith.index_cast %scan3A_17 : i32 to index
      %get3A_269 = arith.constant 288 : index
      %get3A_270 = tpu.vector_load %arg8[%get3A_268, %get3A_269] {strides = array<i32>} : memref<64x768xf32, #tpu.memory_space<vmem>>, vector<1x16xf32>,
      %get3A_271 = vector.shape_cast %get3A_270 : vector<1x16xf32> to vector<16xf32>
      %get3A_272 = arith.index_cast %scan3A_17 : i32 to index
      %get3A_273 = arith.constant 288 : index
      %get3A_274 = tpu.vector_load %arg9[%get3A_272, %get3A_273] {strides = array<i32>} : memref<64x768xf32, #tpu.memory_space<vmem>>, vector<1x16xf32>,
      %get3A_275 = vector.shape_cast %get3A_274 : vector<1x16xf32> to vector<16xf32>
      %add3A_276 = arith.addf %get3A_271, %get3A_275 : vector<16xf32>
      %swap3A_277 = arith.index_cast %scan3A_17 : i32 to index
      %swap3A_278 = arith.constant 288 : index
      %swap3A_279 = tpu.vector_load %arg8[%swap3A_277, %swap3A_278] {strides = array<i32>} : memref<64x768xf32, #tpu.memory_space<vmem>>, vector<1x16xf32>,
      %swap3A_280 = vector.shape_cast %swap3A_279 : vector<1x16xf32> to vector<16xf32>
      %swap3A_281 = vector.shape_cast %add3A_276 : vector<16xf32> to vector<1x16xf32>
      tpu.vector_store %arg8[%swap3A_277, %swap3A_278], %swap3A_281 {strides = array<i32>} : memref<64x768xf32, #tpu.memory_space<vmem>>, vector<1x16xf32>,
      %get3A_282 = arith.index_cast %scan3A_17 : i32 to index
      %get3A_283 = arith.constant 304 : index
      %get3A_284 = tpu.vector_load %arg8[%get3A_282, %get3A_283] {strides = array<i32>} : memref<64x768xf32, #tpu.memory_space<vmem>>, vector<1x16xf32>,
      %get3A_285 = vector.shape_cast %get3A_284 : vector<1x16xf32> to vector<16xf32>
      %get3A_286 = arith.index_cast %scan3A_17 : i32 to index
      %get3A_287 = arith.constant 304 : index
      %get3A_288 = tpu.vector_load %arg9[%get3A_286, %get3A_287] {strides = array<i32>} : memref<64x768xf32, #tpu.memory_space<vmem>>, vector<1x16xf32>,
      %get3A_289 = vector.shape_cast %get3A_288 : vector<1x16xf32> to vector<16xf32>
      %add3A_290 = arith.addf %get3A_285, %get3A_289 : vector<16xf32>
      %swap3A_291 = arith.index_cast %scan3A_17 : i32 to index
      %swap3A_292 = arith.constant 304 : index
      %swap3A_293 = tpu.vector_load %arg8[%swap3A_291, %swap3A_292] {strides = array<i32>} : memref<64x768xf32, #tpu.memory_space<vmem>>, vector<1x16xf32>,
      %swap3A_294 = vector.shape_cast %swap3A_293 : vector<1x16xf32> to vector<16xf32>
      %swap3A_295 = vector.shape_cast %add3A_290 : vector<16xf32> to vector<1x16xf32>
      tpu.vector_store %arg8[%swap3A_291, %swap3A_292], %swap3A_295 {strides = array<i32>} : memref<64x768xf32, #tpu.memory_space<vmem>>, vector<1x16xf32>,
      %get3A_296 = arith.index_cast %scan3A_17 : i32 to index
      %get3A_297 = arith.constant 320 : index
      %get3A_298 = tpu.vector_load %arg8[%get3A_296, %get3A_297] {strides = array<i32>} : memref<64x768xf32, #tpu.memory_space<vmem>>, vector<1x16xf32>,
      %get3A_299 = vector.shape_cast %get3A_298 : vector<1x16xf32> to vector<16xf32>
      %get3A_300 = arith.index_cast %scan3A_17 : i32 to index
      %get3A_301 = arith.constant 320 : index
      %get3A_302 = tpu.vector_load %arg9[%get3A_300, %get3A_301] {strides = array<i32>} : memref<64x768xf32, #tpu.memory_space<vmem>>, vector<1x16xf32>,
      %get3A_303 = vector.shape_cast %get3A_302 : vector<1x16xf32> to vector<16xf32>
      %add3A_304 = arith.addf %get3A_299, %get3A_303 : vector<16xf32>
      %swap3A_305 = arith.index_cast %scan3A_17 : i32 to index
      %swap3A_306 = arith.constant 320 : index
      %swap3A_307 = tpu.vector_load %arg8[%swap3A_305, %swap3A_306] {strides = array<i32>} : memref<64x768xf32, #tpu.memory_space<vmem>>, vector<1x16xf32>,
      %swap3A_308 = vector.shape_cast %swap3A_307 : vector<1x16xf32> to vector<16xf32>
      %swap3A_309 = vector.shape_cast %add3A_304 : vector<16xf32> to vector<1x16xf32>
      tpu.vector_store %arg8[%swap3A_305, %swap3A_306], %swap3A_309 {strides = array<i32>} : memref<64x768xf32, #tpu.memory_space<vmem>>, vector<1x16xf32>,
      %get3A_310 = arith.index_cast %scan3A_17 : i32 to index
      %get3A_311 = arith.constant 336 : index
      %get3A_312 = tpu.vector_load %arg8[%get3A_310, %get3A_311] {strides = array<i32>} : memref<64x768xf32, #tpu.memory_space<vmem>>, vector<1x16xf32>,
      %get3A_313 = vector.shape_cast %get3A_312 : vector<1x16xf32> to vector<16xf32>
      %get3A_314 = arith.index_cast %scan3A_17 : i32 to index
      %get3A_315 = arith.constant 336 : index
      %get3A_316 = tpu.vector_load %arg9[%get3A_314, %get3A_315] {strides = array<i32>} : memref<64x768xf32, #tpu.memory_space<vmem>>, vector<1x16xf32>,
      %get3A_317 = vector.shape_cast %get3A_316 : vector<1x16xf32> to vector<16xf32>
      %add3A_318 = arith.addf %get3A_313, %get3A_317 : vector<16xf32>
      %swap3A_319 = arith.index_cast %scan3A_17 : i32 to index
      %swap3A_320 = arith.constant 336 : index
      %swap3A_321 = tpu.vector_load %arg8[%swap3A_319, %swap3A_320] {strides = array<i32>} : memref<64x768xf32, #tpu.memory_space<vmem>>, vector<1x16xf32>,
      %swap3A_322 = vector.shape_cast %swap3A_321 : vector<1x16xf32> to vector<16xf32>
      %swap3A_323 = vector.shape_cast %add3A_318 : vector<16xf32> to vector<1x16xf32>
      tpu.vector_store %arg8[%swap3A_319, %swap3A_320], %swap3A_323 {strides = array<i32>} : memref<64x768xf32, #tpu.memory_space<vmem>>, vector<1x16xf32>,
      %get3A_324 = arith.index_cast %scan3A_17 : i32 to index
      %get3A_325 = arith.constant 352 : index
      %get3A_326 = tpu.vector_load %arg8[%get3A_324, %get3A_325] {strides = array<i32>} : memref<64x768xf32, #tpu.memory_space<vmem>>, vector<1x16xf32>,
      %get3A_327 = vector.shape_cast %get3A_326 : vector<1x16xf32> to vector<16xf32>
      %get3A_328 = arith.index_cast %scan3A_17 : i32 to index
      %get3A_329 = arith.constant 352 : index
      %get3A_330 = tpu.vector_load %arg9[%get3A_328, %get3A_329] {strides = array<i32>} : memref<64x768xf32, #tpu.memory_space<vmem>>, vector<1x16xf32>,
      %get3A_331 = vector.shape_cast %get3A_330 : vector<1x16xf32> to vector<16xf32>
      %add3A_332 = arith.addf %get3A_327, %get3A_331 : vector<16xf32>
      %swap3A_333 = arith.index_cast %scan3A_17 : i32 to index
      %swap3A_334 = arith.constant 352 : index
      %swap3A_335 = tpu.vector_load %arg8[%swap3A_333, %swap3A_334] {strides = array<i32>} : memref<64x768xf32, #tpu.memory_space<vmem>>, vector<1x16xf32>,
      %swap3A_336 = vector.shape_cast %swap3A_335 : vector<1x16xf32> to vector<16xf32>
      %swap3A_337 = vector.shape_cast %add3A_332 : vector<16xf32> to vector<1x16xf32>
      tpu.vector_store %arg8[%swap3A_333, %swap3A_334], %swap3A_337 {strides = array<i32>} : memref<64x768xf32, #tpu.memory_space<vmem>>, vector<1x16xf32>,
      %get3A_338 = arith.index_cast %scan3A_17 : i32 to index
      %get3A_339 = arith.constant 368 : index
      %get3A_340 = tpu.vector_load %arg8[%get3A_338, %get3A_339] {strides = array<i32>} : memref<64x768xf32, #tpu.memory_space<vmem>>, vector<1x16xf32>,
      %get3A_341 = vector.shape_cast %get3A_340 : vector<1x16xf32> to vector<16xf32>
      %get3A_342 = arith.index_cast %scan3A_17 : i32 to index
      %get3A_343 = arith.constant 368 : index
      %get3A_344 = tpu.vector_load %arg9[%get3A_342, %get3A_343] {strides = array<i32>} : memref<64x768xf32, #tpu.memory_space<vmem>>, vector<1x16xf32>,
      %get3A_345 = vector.shape_cast %get3A_344 : vector<1x16xf32> to vector<16xf32>
      %add3A_346 = arith.addf %get3A_341, %get3A_345 : vector<16xf32>
      %swap3A_347 = arith.index_cast %scan3A_17 : i32 to index
      %swap3A_348 = arith.constant 368 : index
      %swap3A_349 = tpu.vector_load %arg8[%swap3A_347, %swap3A_348] {strides = array<i32>} : memref<64x768xf32, #tpu.memory_space<vmem>>, vector<1x16xf32>,
      %swap3A_350 = vector.shape_cast %swap3A_349 : vector<1x16xf32> to vector<16xf32>
      %swap3A_351 = vector.shape_cast %add3A_346 : vector<16xf32> to vector<1x16xf32>
      tpu.vector_store %arg8[%swap3A_347, %swap3A_348], %swap3A_351 {strides = array<i32>} : memref<64x768xf32, #tpu.memory_space<vmem>>, vector<1x16xf32>,
      %get3A_352 = arith.index_cast %scan3A_17 : i32 to index
      %get3A_353 = arith.constant 384 : index
      %get3A_354 = tpu.vector_load %arg8[%get3A_352, %get3A_353] {strides = array<i32>} : memref<64x768xf32, #tpu.memory_space<vmem>>, vector<1x16xf32>,
      %get3A_355 = vector.shape_cast %get3A_354 : vector<1x16xf32> to vector<16xf32>
      %get3A_356 = arith.index_cast %scan3A_17 : i32 to index
      %get3A_357 = arith.constant 384 : index
      %get3A_358 = tpu.vector_load %arg9[%get3A_356, %get3A_357] {strides = array<i32>} : memref<64x768xf32, #tpu.memory_space<vmem>>, vector<1x16xf32>,
      %get3A_359 = vector.shape_cast %get3A_358 : vector<1x16xf32> to vector<16xf32>
      %add3A_360 = arith.addf %get3A_355, %get3A_359 : vector<16xf32>
      %swap3A_361 = arith.index_cast %scan3A_17 : i32 to index
      %swap3A_362 = arith.constant 384 : index
      %swap3A_363 = tpu.vector_load %arg8[%swap3A_361, %swap3A_362] {strides = array<i32>} : memref<64x768xf32, #tpu.memory_space<vmem>>, vector<1x16xf32>,
      %swap3A_364 = vector.shape_cast %swap3A_363 : vector<1x16xf32> to vector<16xf32>
      %swap3A_365 = vector.shape_cast %add3A_360 : vector<16xf32> to vector<1x16xf32>
      tpu.vector_store %arg8[%swap3A_361, %swap3A_362], %swap3A_365 {strides = array<i32>} : memref<64x768xf32, #tpu.memory_space<vmem>>, vector<1x16xf32>,
      %get3A_366 = arith.index_cast %scan3A_17 : i32 to index
      %get3A_367 = arith.constant 400 : index
      %get3A_368 = tpu.vector_load %arg8[%get3A_366, %get3A_367] {strides = array<i32>} : memref<64x768xf32, #tpu.memory_space<vmem>>, vector<1x16xf32>,
      %get3A_369 = vector.shape_cast %get3A_368 : vector<1x16xf32> to vector<16xf32>
      %get3A_370 = arith.index_cast %scan3A_17 : i32 to index
      %get3A_371 = arith.constant 400 : index
      %get3A_372 = tpu.vector_load %arg9[%get3A_370, %get3A_371] {strides = array<i32>} : memref<64x768xf32, #tpu.memory_space<vmem>>, vector<1x16xf32>,
      %get3A_373 = vector.shape_cast %get3A_372 : vector<1x16xf32> to vector<16xf32>
      %add3A_374 = arith.addf %get3A_369, %get3A_373 : vector<16xf32>
      %swap3A_375 = arith.index_cast %scan3A_17 : i32 to index
      %swap3A_376 = arith.constant 400 : index
      %swap3A_377 = tpu.vector_load %arg8[%swap3A_375, %swap3A_376] {strides = array<i32>} : memref<64x768xf32, #tpu.memory_space<vmem>>, vector<1x16xf32>,
      %swap3A_378 = vector.shape_cast %swap3A_377 : vector<1x16xf32> to vector<16xf32>
      %swap3A_379 = vector.shape_cast %add3A_374 : vector<16xf32> to vector<1x16xf32>
      tpu.vector_store %arg8[%swap3A_375, %swap3A_376], %swap3A_379 {strides = array<i32>} : memref<64x768xf32, #tpu.memory_space<vmem>>, vector<1x16xf32>,
      %get3A_380 = arith.index_cast %scan3A_17 : i32 to index
      %get3A_381 = arith.constant 416 : index
      %get3A_382 = tpu.vector_load %arg8[%get3A_380, %get3A_381] {strides = array<i32>} : memref<64x768xf32, #tpu.memory_space<vmem>>, vector<1x16xf32>,
      %get3A_383 = vector.shape_cast %get3A_382 : vector<1x16xf32> to vector<16xf32>
      %get3A_384 = arith.index_cast %scan3A_17 : i32 to index
      %get3A_385 = arith.constant 416 : index
      %get3A_386 = tpu.vector_load %arg9[%get3A_384, %get3A_385] {strides = array<i32>} : memref<64x768xf32, #tpu.memory_space<vmem>>, vector<1x16xf32>,
      %get3A_387 = vector.shape_cast %get3A_386 : vector<1x16xf32> to vector<16xf32>
      %add3A_388 = arith.addf %get3A_383, %get3A_387 : vector<16xf32>
      %swap3A_389 = arith.index_cast %scan3A_17 : i32 to index
      %swap3A_390 = arith.constant 416 : index
      %swap3A_391 = tpu.vector_load %arg8[%swap3A_389, %swap3A_390] {strides = array<i32>} : memref<64x768xf32, #tpu.memory_space<vmem>>, vector<1x16xf32>,
      %swap3A_392 = vector.shape_cast %swap3A_391 : vector<1x16xf32> to vector<16xf32>
      %swap3A_393 = vector.shape_cast %add3A_388 : vector<16xf32> to vector<1x16xf32>
      tpu.vector_store %arg8[%swap3A_389, %swap3A_390], %swap3A_393 {strides = array<i32>} : memref<64x768xf32, #tpu.memory_space<vmem>>, vector<1x16xf32>,
      %get3A_394 = arith.index_cast %scan3A_17 : i32 to index
      %get3A_395 = arith.constant 432 : index
      %get3A_396 = tpu.vector_load %arg8[%get3A_394, %get3A_395] {strides = array<i32>} : memref<64x768xf32, #tpu.memory_space<vmem>>, vector<1x16xf32>,
      %get3A_397 = vector.shape_cast %get3A_396 : vector<1x16xf32> to vector<16xf32>
      %get3A_398 = arith.index_cast %scan3A_17 : i32 to index
      %get3A_399 = arith.constant 432 : index
      %get3A_400 = tpu.vector_load %arg9[%get3A_398, %get3A_399] {strides = array<i32>} : memref<64x768xf32, #tpu.memory_space<vmem>>, vector<1x16xf32>,
      %get3A_401 = vector.shape_cast %get3A_400 : vector<1x16xf32> to vector<16xf32>
      %add3A_402 = arith.addf %get3A_397, %get3A_401 : vector<16xf32>
      %swap3A_403 = arith.index_cast %scan3A_17 : i32 to index
      %swap3A_404 = arith.constant 432 : index
      %swap3A_405 = tpu.vector_load %arg8[%swap3A_403, %swap3A_404] {strides = array<i32>} : memref<64x768xf32, #tpu.memory_space<vmem>>, vector<1x16xf32>,
      %swap3A_406 = vector.shape_cast %swap3A_405 : vector<1x16xf32> to vector<16xf32>
      %swap3A_407 = vector.shape_cast %add3A_402 : vector<16xf32> to vector<1x16xf32>
      tpu.vector_store %arg8[%swap3A_403, %swap3A_404], %swap3A_407 {strides = array<i32>} : memref<64x768xf32, #tpu.memory_space<vmem>>, vector<1x16xf32>,
      %get3A_408 = arith.index_cast %scan3A_17 : i32 to index
      %get3A_409 = arith.constant 448 : index
      %get3A_410 = tpu.vector_load %arg8[%get3A_408, %get3A_409] {strides = array<i32>} : memref<64x768xf32, #tpu.memory_space<vmem>>, vector<1x16xf32>,
      %get3A_411 = vector.shape_cast %get3A_410 : vector<1x16xf32> to vector<16xf32>
      %get3A_412 = arith.index_cast %scan3A_17 : i32 to index
      %get3A_413 = arith.constant 448 : index
      %get3A_414 = tpu.vector_load %arg9[%get3A_412, %get3A_413] {strides = array<i32>} : memref<64x768xf32, #tpu.memory_space<vmem>>, vector<1x16xf32>,
      %get3A_415 = vector.shape_cast %get3A_414 : vector<1x16xf32> to vector<16xf32>
      %add3A_416 = arith.addf %get3A_411, %get3A_415 : vector<16xf32>
      %swap3A_417 = arith.index_cast %scan3A_17 : i32 to index
      %swap3A_418 = arith.constant 448 : index
      %swap3A_419 = tpu.vector_load %arg8[%swap3A_417, %swap3A_418] {strides = array<i32>} : memref<64x768xf32, #tpu.memory_space<vmem>>, vector<1x16xf32>,
      %swap3A_420 = vector.shape_cast %swap3A_419 : vector<1x16xf32> to vector<16xf32>
      %swap3A_421 = vector.shape_cast %add3A_416 : vector<16xf32> to vector<1x16xf32>
      tpu.vector_store %arg8[%swap3A_417, %swap3A_418], %swap3A_421 {strides = array<i32>} : memref<64x768xf32, #tpu.memory_space<vmem>>, vector<1x16xf32>,
      %get3A_422 = arith.index_cast %scan3A_17 : i32 to index
      %get3A_423 = arith.constant 464 : index
      %get3A_424 = tpu.vector_load %arg8[%get3A_422, %get3A_423] {strides = array<i32>} : memref<64x768xf32, #tpu.memory_space<vmem>>, vector<1x16xf32>,
      %get3A_425 = vector.shape_cast %get3A_424 : vector<1x16xf32> to vector<16xf32>
      %get3A_426 = arith.index_cast %scan3A_17 : i32 to index
      %get3A_427 = arith.constant 464 : index
      %get3A_428 = tpu.vector_load %arg9[%get3A_426, %get3A_427] {strides = array<i32>} : memref<64x768xf32, #tpu.memory_space<vmem>>, vector<1x16xf32>,
      %get3A_429 = vector.shape_cast %get3A_428 : vector<1x16xf32> to vector<16xf32>
      %add3A_430 = arith.addf %get3A_425, %get3A_429 : vector<16xf32>
      %swap3A_431 = arith.index_cast %scan3A_17 : i32 to index
      %swap3A_432 = arith.constant 464 : index
      %swap3A_433 = tpu.vector_load %arg8[%swap3A_431, %swap3A_432] {strides = array<i32>} : memref<64x768xf32, #tpu.memory_space<vmem>>, vector<1x16xf32>,
      %swap3A_434 = vector.shape_cast %swap3A_433 : vector<1x16xf32> to vector<16xf32>
      %swap3A_435 = vector.shape_cast %add3A_430 : vector<16xf32> to vector<1x16xf32>
      tpu.vector_store %arg8[%swap3A_431, %swap3A_432], %swap3A_435 {strides = array<i32>} : memref<64x768xf32, #tpu.memory_space<vmem>>, vector<1x16xf32>,
      %get3A_436 = arith.index_cast %scan3A_17 : i32 to index
      %get3A_437 = arith.constant 480 : index
      %get3A_438 = tpu.vector_load %arg8[%get3A_436, %get3A_437] {strides = array<i32>} : memref<64x768xf32, #tpu.memory_space<vmem>>, vector<1x16xf32>,
      %get3A_439 = vector.shape_cast %get3A_438 : vector<1x16xf32> to vector<16xf32>
      %get3A_440 = arith.index_cast %scan3A_17 : i32 to index
      %get3A_441 = arith.constant 480 : index
      %get3A_442 = tpu.vector_load %arg9[%get3A_440, %get3A_441] {strides = array<i32>} : memref<64x768xf32, #tpu.memory_space<vmem>>, vector<1x16xf32>,
      %get3A_443 = vector.shape_cast %get3A_442 : vector<1x16xf32> to vector<16xf32>
      %add3A_444 = arith.addf %get3A_439, %get3A_443 : vector<16xf32>
      %swap3A_445 = arith.index_cast %scan3A_17 : i32 to index
      %swap3A_446 = arith.constant 480 : index
      %swap3A_447 = tpu.vector_load %arg8[%swap3A_445, %swap3A_446] {strides = array<i32>} : memref<64x768xf32, #tpu.memory_space<vmem>>, vector<1x16xf32>,
      %swap3A_448 = vector.shape_cast %swap3A_447 : vector<1x16xf32> to vector<16xf32>
      %swap3A_449 = vector.shape_cast %add3A_444 : vector<16xf32> to vector<1x16xf32>
      tpu.vector_store %arg8[%swap3A_445, %swap3A_446], %swap3A_449 {strides = array<i32>} : memref<64x768xf32, #tpu.memory_space<vmem>>, vector<1x16xf32>,
      %get3A_450 = arith.index_cast %scan3A_17 : i32 to index
      %get3A_451 = arith.constant 496 : index
      %get3A_452 = tpu.vector_load %arg8[%get3A_450, %get3A_451] {strides = array<i32>} : memref<64x768xf32, #tpu.memory_space<vmem>>, vector<1x16xf32>,
      %get3A_453 = vector.shape_cast %get3A_452 : vector<1x16xf32> to vector<16xf32>
      %get3A_454 = arith.index_cast %scan3A_17 : i32 to index
      %get3A_455 = arith.constant 496 : index
      %get3A_456 = tpu.vector_load %arg9[%get3A_454, %get3A_455] {strides = array<i32>} : memref<64x768xf32, #tpu.memory_space<vmem>>, vector<1x16xf32>,
      %get3A_457 = vector.shape_cast %get3A_456 : vector<1x16xf32> to vector<16xf32>
      %add3A_458 = arith.addf %get3A_453, %get3A_457 : vector<16xf32>
      %swap3A_459 = arith.index_cast %scan3A_17 : i32 to index
      %swap3A_460 = arith.constant 496 : index
      %swap3A_461 = tpu.vector_load %arg8[%swap3A_459, %swap3A_460] {strides = array<i32>} : memref<64x768xf32, #tpu.memory_space<vmem>>, vector<1x16xf32>,
      %swap3A_462 = vector.shape_cast %swap3A_461 : vector<1x16xf32> to vector<16xf32>
      %swap3A_463 = vector.shape_cast %add3A_458 : vector<16xf32> to vector<1x16xf32>
      tpu.vector_store %arg8[%swap3A_459, %swap3A_460], %swap3A_463 {strides = array<i32>} : memref<64x768xf32, #tpu.memory_space<vmem>>, vector<1x16xf32>,
      %get3A_464 = arith.index_cast %scan3A_17 : i32 to index
      %get3A_465 = arith.constant 512 : index
      %get3A_466 = tpu.vector_load %arg8[%get3A_464, %get3A_465] {strides = array<i32>} : memref<64x768xf32, #tpu.memory_space<vmem>>, vector<1x16xf32>,
      %get3A_467 = vector.shape_cast %get3A_466 : vector<1x16xf32> to vector<16xf32>
      %get3A_468 = arith.index_cast %scan3A_17 : i32 to index
      %get3A_469 = arith.constant 512 : index
      %get3A_470 = tpu.vector_load %arg9[%get3A_468, %get3A_469] {strides = array<i32>} : memref<64x768xf32, #tpu.memory_space<vmem>>, vector<1x16xf32>,
      %get3A_471 = vector.shape_cast %get3A_470 : vector<1x16xf32> to vector<16xf32>
      %add3A_472 = arith.addf %get3A_467, %get3A_471 : vector<16xf32>
      %swap3A_473 = arith.index_cast %scan3A_17 : i32 to index
      %swap3A_474 = arith.constant 512 : index
      %swap3A_475 = tpu.vector_load %arg8[%swap3A_473, %swap3A_474] {strides = array<i32>} : memref<64x768xf32, #tpu.memory_space<vmem>>, vector<1x16xf32>,
      %swap3A_476 = vector.shape_cast %swap3A_475 : vector<1x16xf32> to vector<16xf32>
      %swap3A_477 = vector.shape_cast %add3A_472 : vector<16xf32> to vector<1x16xf32>
      tpu.vector_store %arg8[%swap3A_473, %swap3A_474], %swap3A_477 {strides = array<i32>} : memref<64x768xf32, #tpu.memory_space<vmem>>, vector<1x16xf32>,
      %get3A_478 = arith.index_cast %scan3A_17 : i32 to index
      %get3A_479 = arith.constant 528 : index
      %get3A_480 = tpu.vector_load %arg8[%get3A_478, %get3A_479] {strides = array<i32>} : memref<64x768xf32, #tpu.memory_space<vmem>>, vector<1x16xf32>,
      %get3A_481 = vector.shape_cast %get3A_480 : vector<1x16xf32> to vector<16xf32>
      %get3A_482 = arith.index_cast %scan3A_17 : i32 to index
      %get3A_483 = arith.constant 528 : index
      %get3A_484 = tpu.vector_load %arg9[%get3A_482, %get3A_483] {strides = array<i32>} : memref<64x768xf32, #tpu.memory_space<vmem>>, vector<1x16xf32>,
      %get3A_485 = vector.shape_cast %get3A_484 : vector<1x16xf32> to vector<16xf32>
      %add3A_486 = arith.addf %get3A_481, %get3A_485 : vector<16xf32>
      %swap3A_487 = arith.index_cast %scan3A_17 : i32 to index
      %swap3A_488 = arith.constant 528 : index
      %swap3A_489 = tpu.vector_load %arg8[%swap3A_487, %swap3A_488] {strides = array<i32>} : memref<64x768xf32, #tpu.memory_space<vmem>>, vector<1x16xf32>,
      %swap3A_490 = vector.shape_cast %swap3A_489 : vector<1x16xf32> to vector<16xf32>
      %swap3A_491 = vector.shape_cast %add3A_486 : vector<16xf32> to vector<1x16xf32>
      tpu.vector_store %arg8[%swap3A_487, %swap3A_488], %swap3A_491 {strides = array<i32>} : memref<64x768xf32, #tpu.memory_space<vmem>>, vector<1x16xf32>,
      %get3A_492 = arith.index_cast %scan3A_17 : i32 to index
      %get3A_493 = arith.constant 544 : index
      %get3A_494 = tpu.vector_load %arg8[%get3A_492, %get3A_493] {strides = array<i32>} : memref<64x768xf32, #tpu.memory_space<vmem>>, vector<1x16xf32>,
      %get3A_495 = vector.shape_cast %get3A_494 : vector<1x16xf32> to vector<16xf32>
      %get3A_496 = arith.index_cast %scan3A_17 : i32 to index
      %get3A_497 = arith.constant 544 : index
      %get3A_498 = tpu.vector_load %arg9[%get3A_496, %get3A_497] {strides = array<i32>} : memref<64x768xf32, #tpu.memory_space<vmem>>, vector<1x16xf32>,
      %get3A_499 = vector.shape_cast %get3A_498 : vector<1x16xf32> to vector<16xf32>
      %add3A_500 = arith.addf %get3A_495, %get3A_499 : vector<16xf32>
      %swap3A_501 = arith.index_cast %scan3A_17 : i32 to index
      %swap3A_502 = arith.constant 544 : index
      %swap3A_503 = tpu.vector_load %arg8[%swap3A_501, %swap3A_502] {strides = array<i32>} : memref<64x768xf32, #tpu.memory_space<vmem>>, vector<1x16xf32>,
      %swap3A_504 = vector.shape_cast %swap3A_503 : vector<1x16xf32> to vector<16xf32>
      %swap3A_505 = vector.shape_cast %add3A_500 : vector<16xf32> to vector<1x16xf32>
      tpu.vector_store %arg8[%swap3A_501, %swap3A_502], %swap3A_505 {strides = array<i32>} : memref<64x768xf32, #tpu.memory_space<vmem>>, vector<1x16xf32>,
      %get3A_506 = arith.index_cast %scan3A_17 : i32 to index
      %get3A_507 = arith.constant 560 : index
      %get3A_508 = tpu.vector_load %arg8[%get3A_506, %get3A_507] {strides = array<i32>} : memref<64x768xf32, #tpu.memory_space<vmem>>, vector<1x16xf32>,
      %get3A_509 = vector.shape_cast %get3A_508 : vector<1x16xf32> to vector<16xf32>
      %get3A_510 = arith.index_cast %scan3A_17 : i32 to index
      %get3A_511 = arith.constant 560 : index
      %get3A_512 = tpu.vector_load %arg9[%get3A_510, %get3A_511] {strides = array<i32>} : memref<64x768xf32, #tpu.memory_space<vmem>>, vector<1x16xf32>,
      %get3A_513 = vector.shape_cast %get3A_512 : vector<1x16xf32> to vector<16xf32>
      %add3A_514 = arith.addf %get3A_509, %get3A_513 : vector<16xf32>
      %swap3A_515 = arith.index_cast %scan3A_17 : i32 to index
      %swap3A_516 = arith.constant 560 : index
      %swap3A_517 = tpu.vector_load %arg8[%swap3A_515, %swap3A_516] {strides = array<i32>} : memref<64x768xf32, #tpu.memory_space<vmem>>, vector<1x16xf32>,
      %swap3A_518 = vector.shape_cast %swap3A_517 : vector<1x16xf32> to vector<16xf32>
      %swap3A_519 = vector.shape_cast %add3A_514 : vector<16xf32> to vector<1x16xf32>
      tpu.vector_store %arg8[%swap3A_515, %swap3A_516], %swap3A_519 {strides = array<i32>} : memref<64x768xf32, #tpu.memory_space<vmem>>, vector<1x16xf32>,
      %get3A_520 = arith.index_cast %scan3A_17 : i32 to index
      %get3A_521 = arith.constant 576 : index
      %get3A_522 = tpu.vector_load %arg8[%get3A_520, %get3A_521] {strides = array<i32>} : memref<64x768xf32, #tpu.memory_space<vmem>>, vector<1x16xf32>,
      %get3A_523 = vector.shape_cast %get3A_522 : vector<1x16xf32> to vector<16xf32>
      %get3A_524 = arith.index_cast %scan3A_17 : i32 to index
      %get3A_525 = arith.constant 576 : index
      %get3A_526 = tpu.vector_load %arg9[%get3A_524, %get3A_525] {strides = array<i32>} : memref<64x768xf32, #tpu.memory_space<vmem>>, vector<1x16xf32>,
      %get3A_527 = vector.shape_cast %get3A_526 : vector<1x16xf32> to vector<16xf32>
      %add3A_528 = arith.addf %get3A_523, %get3A_527 : vector<16xf32>
      %swap3A_529 = arith.index_cast %scan3A_17 : i32 to index
      %swap3A_530 = arith.constant 576 : index
      %swap3A_531 = tpu.vector_load %arg8[%swap3A_529, %swap3A_530] {strides = array<i32>} : memref<64x768xf32, #tpu.memory_space<vmem>>, vector<1x16xf32>,
      %swap3A_532 = vector.shape_cast %swap3A_531 : vector<1x16xf32> to vector<16xf32>
      %swap3A_533 = vector.shape_cast %add3A_528 : vector<16xf32> to vector<1x16xf32>
      tpu.vector_store %arg8[%swap3A_529, %swap3A_530], %swap3A_533 {strides = array<i32>} : memref<64x768xf32, #tpu.memory_space<vmem>>, vector<1x16xf32>,
      %get3A_534 = arith.index_cast %scan3A_17 : i32 to index
      %get3A_535 = arith.constant 592 : index
      %get3A_536 = tpu.vector_load %arg8[%get3A_534, %get3A_535] {strides = array<i32>} : memref<64x768xf32, #tpu.memory_space<vmem>>, vector<1x16xf32>,
      %get3A_537 = vector.shape_cast %get3A_536 : vector<1x16xf32> to vector<16xf32>
      %get3A_538 = arith.index_cast %scan3A_17 : i32 to index
      %get3A_539 = arith.constant 592 : index
      %get3A_540 = tpu.vector_load %arg9[%get3A_538, %get3A_539] {strides = array<i32>} : memref<64x768xf32, #tpu.memory_space<vmem>>, vector<1x16xf32>,
      %get3A_541 = vector.shape_cast %get3A_540 : vector<1x16xf32> to vector<16xf32>
      %add3A_542 = arith.addf %get3A_537, %get3A_541 : vector<16xf32>
      %swap3A_543 = arith.index_cast %scan3A_17 : i32 to index
      %swap3A_544 = arith.constant 592 : index
      %swap3A_545 = tpu.vector_load %arg8[%swap3A_543, %swap3A_544] {strides = array<i32>} : memref<64x768xf32, #tpu.memory_space<vmem>>, vector<1x16xf32>,
      %swap3A_546 = vector.shape_cast %swap3A_545 : vector<1x16xf32> to vector<16xf32>
      %swap3A_547 = vector.shape_cast %add3A_542 : vector<16xf32> to vector<1x16xf32>
      tpu.vector_store %arg8[%swap3A_543, %swap3A_544], %swap3A_547 {strides = array<i32>} : memref<64x768xf32, #tpu.memory_space<vmem>>, vector<1x16xf32>,
      %get3A_548 = arith.index_cast %scan3A_17 : i32 to index
      %get3A_549 = arith.constant 608 : index
      %get3A_550 = tpu.vector_load %arg8[%get3A_548, %get3A_549] {strides = array<i32>} : memref<64x768xf32, #tpu.memory_space<vmem>>, vector<1x16xf32>,
      %get3A_551 = vector.shape_cast %get3A_550 : vector<1x16xf32> to vector<16xf32>
      %get3A_552 = arith.index_cast %scan3A_17 : i32 to index
      %get3A_553 = arith.constant 608 : index
      %get3A_554 = tpu.vector_load %arg9[%get3A_552, %get3A_553] {strides = array<i32>} : memref<64x768xf32, #tpu.memory_space<vmem>>, vector<1x16xf32>,
      %get3A_555 = vector.shape_cast %get3A_554 : vector<1x16xf32> to vector<16xf32>
      %add3A_556 = arith.addf %get3A_551, %get3A_555 : vector<16xf32>
      %swap3A_557 = arith.index_cast %scan3A_17 : i32 to index
      %swap3A_558 = arith.constant 608 : index
      %swap3A_559 = tpu.vector_load %arg8[%swap3A_557, %swap3A_558] {strides = array<i32>} : memref<64x768xf32, #tpu.memory_space<vmem>>, vector<1x16xf32>,
      %swap3A_560 = vector.shape_cast %swap3A_559 : vector<1x16xf32> to vector<16xf32>
      %swap3A_561 = vector.shape_cast %add3A_556 : vector<16xf32> to vector<1x16xf32>
      tpu.vector_store %arg8[%swap3A_557, %swap3A_558], %swap3A_561 {strides = array<i32>} : memref<64x768xf32, #tpu.memory_space<vmem>>, vector<1x16xf32>,
      %get3A_562 = arith.index_cast %scan3A_17 : i32 to index
      %get3A_563 = arith.constant 624 : index
      %get3A_564 = tpu.vector_load %arg8[%get3A_562, %get3A_563] {strides = array<i32>} : memref<64x768xf32, #tpu.memory_space<vmem>>, vector<1x16xf32>,
      %get3A_565 = vector.shape_cast %get3A_564 : vector<1x16xf32> to vector<16xf32>
      %get3A_566 = arith.index_cast %scan3A_17 : i32 to index
      %get3A_567 = arith.constant 624 : index
      %get3A_568 = tpu.vector_load %arg9[%get3A_566, %get3A_567] {strides = array<i32>} : memref<64x768xf32, #tpu.memory_space<vmem>>, vector<1x16xf32>,
      %get3A_569 = vector.shape_cast %get3A_568 : vector<1x16xf32> to vector<16xf32>
      %add3A_570 = arith.addf %get3A_565, %get3A_569 : vector<16xf32>
      %swap3A_571 = arith.index_cast %scan3A_17 : i32 to index
      %swap3A_572 = arith.constant 624 : index
      %swap3A_573 = tpu.vector_load %arg8[%swap3A_571, %swap3A_572] {strides = array<i32>} : memref<64x768xf32, #tpu.memory_space<vmem>>, vector<1x16xf32>,
      %swap3A_574 = vector.shape_cast %swap3A_573 : vector<1x16xf32> to vector<16xf32>
      %swap3A_575 = vector.shape_cast %add3A_570 : vector<16xf32> to vector<1x16xf32>
      tpu.vector_store %arg8[%swap3A_571, %swap3A_572], %swap3A_575 {strides = array<i32>} : memref<64x768xf32, #tpu.memory_space<vmem>>, vector<1x16xf32>,
      %get3A_576 = arith.index_cast %scan3A_17 : i32 to index
      %get3A_577 = arith.constant 640 : index
      %get3A_578 = tpu.vector_load %arg8[%get3A_576, %get3A_577] {strides = array<i32>} : memref<64x768xf32, #tpu.memory_space<vmem>>, vector<1x16xf32>,
      %get3A_579 = vector.shape_cast %get3A_578 : vector<1x16xf32> to vector<16xf32>
      %get3A_580 = arith.index_cast %scan3A_17 : i32 to index
      %get3A_581 = arith.constant 640 : index
      %get3A_582 = tpu.vector_load %arg9[%get3A_580, %get3A_581] {strides = array<i32>} : memref<64x768xf32, #tpu.memory_space<vmem>>, vector<1x16xf32>,
      %get3A_583 = vector.shape_cast %get3A_582 : vector<1x16xf32> to vector<16xf32>
      %add3A_584 = arith.addf %get3A_579, %get3A_583 : vector<16xf32>
      %swap3A_585 = arith.index_cast %scan3A_17 : i32 to index
      %swap3A_586 = arith.constant 640 : index
      %swap3A_587 = tpu.vector_load %arg8[%swap3A_585, %swap3A_586] {strides = array<i32>} : memref<64x768xf32, #tpu.memory_space<vmem>>, vector<1x16xf32>,
      %swap3A_588 = vector.shape_cast %swap3A_587 : vector<1x16xf32> to vector<16xf32>
      %swap3A_589 = vector.shape_cast %add3A_584 : vector<16xf32> to vector<1x16xf32>
      tpu.vector_store %arg8[%swap3A_585, %swap3A_586], %swap3A_589 {strides = array<i32>} : memref<64x768xf32, #tpu.memory_space<vmem>>, vector<1x16xf32>,
      %get3A_590 = arith.index_cast %scan3A_17 : i32 to index
      %get3A_591 = arith.constant 656 : index
      %get3A_592 = tpu.vector_load %arg8[%get3A_590, %get3A_591] {strides = array<i32>} : memref<64x768xf32, #tpu.memory_space<vmem>>, vector<1x16xf32>,
      %get3A_593 = vector.shape_cast %get3A_592 : vector<1x16xf32> to vector<16xf32>
      %get3A_594 = arith.index_cast %scan3A_17 : i32 to index
      %get3A_595 = arith.constant 656 : index
      %get3A_596 = tpu.vector_load %arg9[%get3A_594, %get3A_595] {strides = array<i32>} : memref<64x768xf32, #tpu.memory_space<vmem>>, vector<1x16xf32>,
      %get3A_597 = vector.shape_cast %get3A_596 : vector<1x16xf32> to vector<16xf32>
      %add3A_598 = arith.addf %get3A_593, %get3A_597 : vector<16xf32>
      %swap3A_599 = arith.index_cast %scan3A_17 : i32 to index
      %swap3A_600 = arith.constant 656 : index
      %swap3A_601 = tpu.vector_load %arg8[%swap3A_599, %swap3A_600] {strides = array<i32>} : memref<64x768xf32, #tpu.memory_space<vmem>>, vector<1x16xf32>,
      %swap3A_602 = vector.shape_cast %swap3A_601 : vector<1x16xf32> to vector<16xf32>
      %swap3A_603 = vector.shape_cast %add3A_598 : vector<16xf32> to vector<1x16xf32>
      tpu.vector_store %arg8[%swap3A_599, %swap3A_600], %swap3A_603 {strides = array<i32>} : memref<64x768xf32, #tpu.memory_space<vmem>>, vector<1x16xf32>,
      %get3A_604 = arith.index_cast %scan3A_17 : i32 to index
      %get3A_605 = arith.constant 672 : index
      %get3A_606 = tpu.vector_load %arg8[%get3A_604, %get3A_605] {strides = array<i32>} : memref<64x768xf32, #tpu.memory_space<vmem>>, vector<1x16xf32>,
      %get3A_607 = vector.shape_cast %get3A_606 : vector<1x16xf32> to vector<16xf32>
      %get3A_608 = arith.index_cast %scan3A_17 : i32 to index
      %get3A_609 = arith.constant 672 : index
      %get3A_610 = tpu.vector_load %arg9[%get3A_608, %get3A_609] {strides = array<i32>} : memref<64x768xf32, #tpu.memory_space<vmem>>, vector<1x16xf32>,
      %get3A_611 = vector.shape_cast %get3A_610 : vector<1x16xf32> to vector<16xf32>
      %add3A_612 = arith.addf %get3A_607, %get3A_611 : vector<16xf32>
      %swap3A_613 = arith.index_cast %scan3A_17 : i32 to index
      %swap3A_614 = arith.constant 672 : index
      %swap3A_615 = tpu.vector_load %arg8[%swap3A_613, %swap3A_614] {strides = array<i32>} : memref<64x768xf32, #tpu.memory_space<vmem>>, vector<1x16xf32>,
      %swap3A_616 = vector.shape_cast %swap3A_615 : vector<1x16xf32> to vector<16xf32>
      %swap3A_617 = vector.shape_cast %add3A_612 : vector<16xf32> to vector<1x16xf32>
      tpu.vector_store %arg8[%swap3A_613, %swap3A_614], %swap3A_617 {strides = array<i32>} : memref<64x768xf32, #tpu.memory_space<vmem>>, vector<1x16xf32>,
      %get3A_618 = arith.index_cast %scan3A_17 : i32 to index
      %get3A_619 = arith.constant 688 : index
      %get3A_620 = tpu.vector_load %arg8[%get3A_618, %get3A_619] {strides = array<i32>} : memref<64x768xf32, #tpu.memory_space<vmem>>, vector<1x16xf32>,
      %get3A_621 = vector.shape_cast %get3A_620 : vector<1x16xf32> to vector<16xf32>
      %get3A_622 = arith.index_cast %scan3A_17 : i32 to index
      %get3A_623 = arith.constant 688 : index
      %get3A_624 = tpu.vector_load %arg9[%get3A_622, %get3A_623] {strides = array<i32>} : memref<64x768xf32, #tpu.memory_space<vmem>>, vector<1x16xf32>,
      %get3A_625 = vector.shape_cast %get3A_624 : vector<1x16xf32> to vector<16xf32>
      %add3A_626 = arith.addf %get3A_621, %get3A_625 : vector<16xf32>
      %swap3A_627 = arith.index_cast %scan3A_17 : i32 to index
      %swap3A_628 = arith.constant 688 : index
      %swap3A_629 = tpu.vector_load %arg8[%swap3A_627, %swap3A_628] {strides = array<i32>} : memref<64x768xf32, #tpu.memory_space<vmem>>, vector<1x16xf32>,
      %swap3A_630 = vector.shape_cast %swap3A_629 : vector<1x16xf32> to vector<16xf32>
      %swap3A_631 = vector.shape_cast %add3A_626 : vector<16xf32> to vector<1x16xf32>
      tpu.vector_store %arg8[%swap3A_627, %swap3A_628], %swap3A_631 {strides = array<i32>} : memref<64x768xf32, #tpu.memory_space<vmem>>, vector<1x16xf32>,
      %get3A_632 = arith.index_cast %scan3A_17 : i32 to index
      %get3A_633 = arith.constant 704 : index
      %get3A_634 = tpu.vector_load %arg8[%get3A_632, %get3A_633] {strides = array<i32>} : memref<64x768xf32, #tpu.memory_space<vmem>>, vector<1x16xf32>,
      %get3A_635 = vector.shape_cast %get3A_634 : vector<1x16xf32> to vector<16xf32>
      %get3A_636 = arith.index_cast %scan3A_17 : i32 to index
      %get3A_637 = arith.constant 704 : index
      %get3A_638 = tpu.vector_load %arg9[%get3A_636, %get3A_637] {strides = array<i32>} : memref<64x768xf32, #tpu.memory_space<vmem>>, vector<1x16xf32>,
      %get3A_639 = vector.shape_cast %get3A_638 : vector<1x16xf32> to vector<16xf32>
      %add3A_640 = arith.addf %get3A_635, %get3A_639 : vector<16xf32>
      %swap3A_641 = arith.index_cast %scan3A_17 : i32 to index
      %swap3A_642 = arith.constant 704 : index
      %swap3A_643 = tpu.vector_load %arg8[%swap3A_641, %swap3A_642] {strides = array<i32>} : memref<64x768xf32, #tpu.memory_space<vmem>>, vector<1x16xf32>,
      %swap3A_644 = vector.shape_cast %swap3A_643 : vector<1x16xf32> to vector<16xf32>
      %swap3A_645 = vector.shape_cast %add3A_640 : vector<16xf32> to vector<1x16xf32>
      tpu.vector_store %arg8[%swap3A_641, %swap3A_642], %swap3A_645 {strides = array<i32>} : memref<64x768xf32, #tpu.memory_space<vmem>>, vector<1x16xf32>,
      %get3A_646 = arith.index_cast %scan3A_17 : i32 to index
      %get3A_647 = arith.constant 720 : index
      %get3A_648 = tpu.vector_load %arg8[%get3A_646, %get3A_647] {strides = array<i32>} : memref<64x768xf32, #tpu.memory_space<vmem>>, vector<1x16xf32>,
      %get3A_649 = vector.shape_cast %get3A_648 : vector<1x16xf32> to vector<16xf32>
      %get3A_650 = arith.index_cast %scan3A_17 : i32 to index
      %get3A_651 = arith.constant 720 : index
      %get3A_652 = tpu.vector_load %arg9[%get3A_650, %get3A_651] {strides = array<i32>} : memref<64x768xf32, #tpu.memory_space<vmem>>, vector<1x16xf32>,
      %get3A_653 = vector.shape_cast %get3A_652 : vector<1x16xf32> to vector<16xf32>
      %add3A_654 = arith.addf %get3A_649, %get3A_653 : vector<16xf32>
      %swap3A_655 = arith.index_cast %scan3A_17 : i32 to index
      %swap3A_656 = arith.constant 720 : index
      %swap3A_657 = tpu.vector_load %arg8[%swap3A_655, %swap3A_656] {strides = array<i32>} : memref<64x768xf32, #tpu.memory_space<vmem>>, vector<1x16xf32>,
      %swap3A_658 = vector.shape_cast %swap3A_657 : vector<1x16xf32> to vector<16xf32>
      %swap3A_659 = vector.shape_cast %add3A_654 : vector<16xf32> to vector<1x16xf32>
      tpu.vector_store %arg8[%swap3A_655, %swap3A_656], %swap3A_659 {strides = array<i32>} : memref<64x768xf32, #tpu.memory_space<vmem>>, vector<1x16xf32>,
      %get3A_660 = arith.index_cast %scan3A_17 : i32 to index
      %get3A_661 = arith.constant 736 : index
      %get3A_662 = tpu.vector_load %arg8[%get3A_660, %get3A_661] {strides = array<i32>} : memref<64x768xf32, #tpu.memory_space<vmem>>, vector<1x16xf32>,
      %get3A_663 = vector.shape_cast %get3A_662 : vector<1x16xf32> to vector<16xf32>
      %get3A_664 = arith.index_cast %scan3A_17 : i32 to index
      %get3A_665 = arith.constant 736 : index
      %get3A_666 = tpu.vector_load %arg9[%get3A_664, %get3A_665] {strides = array<i32>} : memref<64x768xf32, #tpu.memory_space<vmem>>, vector<1x16xf32>,
      %get3A_667 = vector.shape_cast %get3A_666 : vector<1x16xf32> to vector<16xf32>
      %add3A_668 = arith.addf %get3A_663, %get3A_667 : vector<16xf32>
      %swap3A_669 = arith.index_cast %scan3A_17 : i32 to index
      %swap3A_670 = arith.constant 736 : index
      %swap3A_671 = tpu.vector_load %arg8[%swap3A_669, %swap3A_670] {strides = array<i32>} : memref<64x768xf32, #tpu.memory_space<vmem>>, vector<1x16xf32>,
      %swap3A_672 = vector.shape_cast %swap3A_671 : vector<1x16xf32> to vector<16xf32>
      %swap3A_673 = vector.shape_cast %add3A_668 : vector<16xf32> to vector<1x16xf32>
      tpu.vector_store %arg8[%swap3A_669, %swap3A_670], %swap3A_673 {strides = array<i32>} : memref<64x768xf32, #tpu.memory_space<vmem>>, vector<1x16xf32>,
      %get3A_674 = arith.index_cast %scan3A_17 : i32 to index
      %get3A_675 = arith.constant 752 : index
      %get3A_676 = tpu.vector_load %arg8[%get3A_674, %get3A_675] {strides = array<i32>} : memref<64x768xf32, #tpu.memory_space<vmem>>, vector<1x16xf32>,
      %get3A_677 = vector.shape_cast %get3A_676 : vector<1x16xf32> to vector<16xf32>
      %get3A_678 = arith.index_cast %scan3A_17 : i32 to index
      %get3A_679 = arith.constant 752 : index
      %get3A_680 = tpu.vector_load %arg9[%get3A_678, %get3A_679] {strides = array<i32>} : memref<64x768xf32, #tpu.memory_space<vmem>>, vector<1x16xf32>,
      %get3A_681 = vector.shape_cast %get3A_680 : vector<1x16xf32> to vector<16xf32>
      %add3A_682 = arith.addf %get3A_677, %get3A_681 : vector<16xf32>
      %swap3A_683 = arith.index_cast %scan3A_17 : i32 to index
      %swap3A_684 = arith.constant 752 : index
      %swap3A_685 = tpu.vector_load %arg8[%swap3A_683, %swap3A_684] {strides = array<i32>} : memref<64x768xf32, #tpu.memory_space<vmem>>, vector<1x16xf32>,
      %swap3A_686 = vector.shape_cast %swap3A_685 : vector<1x16xf32> to vector<16xf32>
      %swap3A_687 = vector.shape_cast %add3A_682 : vector<16xf32> to vector<1x16xf32>
      tpu.vector_store %arg8[%swap3A_683, %swap3A_684], %swap3A_687 {strides = array<i32>} : memref<64x768xf32, #tpu.memory_space<vmem>>, vector<1x16xf32>,
    }
    %scan3A_16 = arith.constant 64 : i32
    "tpu.region"() ({
      %run_scoped3A = tpu.sem_alloc : memref<!tpu.dma_semaphore, #tpu.memory_space<semaphore_mem>>
      %dma_start3A_17 = arith.constant 0 : i32
      %dma_start3A_18 = tpu.memref_slice %arg5[%mul3A_2, %dma_start3A_17] : memref<2048x768xf32, #tpu.memory_space<hbm>> -> memref<64x768xf32, #tpu.memory_space<hbm>>
      %dma_start3A_19 = arith.constant 0 : i32
      %dma_start3A_20 = tpu.memref_slice %arg5[%mul3A_2, %dma_start3A_19] : memref<2048x768xf32, #tpu.memory_space<hbm>> -> memref<64x768xf32, #tpu.memory_space<hbm>>
      tpu.enqueue_dma source(%arg8 : memref<64x768xf32, #tpu.memory_space<vmem>>) target(%dma_start3A_20 : memref<64x768xf32, #tpu.memory_space<hbm>>) target_semaphore(%run_scoped3A : memref<!tpu.dma_semaphore, #tpu.memory_space<semaphore_mem>>)
      %dma_wait3A_21 = arith.constant 0 : i32
      %dma_wait3A_22 = tpu.memref_slice %arg5[%mul3A_2, %dma_wait3A_21] : memref<2048x768xf32, #tpu.memory_space<hbm>> -> memref<64x768xf32, #tpu.memory_space<hbm>>
      %dma_wait3A_23 = arith.constant 0 : i32
      %dma_wait3A_24 = tpu.memref_slice %arg5[%mul3A_2, %dma_wait3A_23] : memref<2048x768xf32, #tpu.memory_space<hbm>> -> memref<64x768xf32, #tpu.memory_space<hbm>>
      tpu.wait_dma2 semaphore(%run_scoped3A : memref<!tpu.dma_semaphore, #tpu.memory_space<semaphore_mem>>) src(%arg8 : memref<64x768xf32, #tpu.memory_space<vmem>>) dst(%dma_wait3A_24 : memref<64x768xf32, #tpu.memory_space<hbm>>)
      tpu.yield
    }) : () -> ()
    return
  }
}

#map = affine_map<(d0, d1) -> (0, 0)>
#map1 = affine_map<(d0, d1) -> (0)>
module attributes {stable_mosaic.version = 14 : i64} {
  func.func @_stage_b(%arg0: i32, %arg1: i32, %arg2: memref<2048x768xf32, #tpu.memory_space<hbm>>, %arg3: memref<2048xi32, #tpu.memory_space<hbm>>, %arg4: memref<2048xi32, #tpu.memory_space<hbm>>, %arg5: memref<2048x128xf32, #tpu.memory_space<hbm>>, %arg6: memref<2048x128xf32, #tpu.memory_space<hbm>>, %arg7: memref<8192x768xf32, #tpu.memory_space<hbm>>, %arg8: memref<8192x128xf32, #tpu.memory_space<hbm>>, %arg9: memref<64xi32, #tpu.memory_space<vmem>>, %arg10: memref<64xi32, #tpu.memory_space<vmem>>, %arg11: memref<64xi32, #tpu.memory_space<vmem>>, %arg12: memref<64x768xf32, #tpu.memory_space<vmem>>, %arg13: memref<64x128xf32, #tpu.memory_space<vmem>>, %arg14: memref<64x128xf32, #tpu.memory_space<vmem>>, %arg15: memref<!tpu.dma_semaphore, #tpu.memory_space<semaphore_mem>>) attributes {dimension_semantics = [#tpu.dimension_semantics<core_parallel>, #tpu.dimension_semantics<subcore_parallel>], iteration_bounds = array<i64: 2, 16>, scalar_prefetch = 0 : i64, scratch_operands = 7 : i64, tpu.core_type = #tpu.core_type<sc_vector_subcore>, window_params = [{transform_indices = #map}, {transform_indices = #map1}, {transform_indices = #map1}, {transform_indices = #map}, {transform_indices = #map}, {transform_indices = #map}, {transform_indices = #map}]} {
    %mul3A = arith.constant 2 : i32
    %mul3A_0 = arith.muli %arg1, %mul3A : i32
    %add3A = arith.addi %mul3A_0, %arg0 : i32
    %mul3A_1 = arith.constant 64 : i32
    %mul3A_2 = arith.muli %add3A, %mul3A_1 : i32
    %add3A_3 = arith.constant 0 : i32
    %add3A_4 = arith.addi %mul3A_2, %add3A_3 : i32
    %iota3A = tpu.iota {dimensions = array<i32: 0>} : vector<16xi32>
    %add3A_5 = vector.broadcast %add3A_4 : i32 to vector<16xi32>
    %add3A_6 = arith.addi %add3A_5, %iota3A : vector<16xi32>
    %swap3A = arith.constant 0 : index
    %swap3A_7 = tpu.vector_load %arg9[%swap3A] {strides = array<i32>} : memref<64xi32, #tpu.memory_space<vmem>>, vector<16xi32>,
    %swap3A_8 = vector.shape_cast %swap3A_7 : vector<16xi32> to vector<16xi32>
    %swap3A_9 = vector.shape_cast %add3A_6 : vector<16xi32> to vector<16xi32>
    tpu.vector_store %arg9[%swap3A], %swap3A_9 {strides = array<i32>} : memref<64xi32, #tpu.memory_space<vmem>>, vector<16xi32>,
    %add3A_10 = arith.constant 16 : i32
    %add3A_11 = arith.addi %mul3A_2, %add3A_10 : i32
    %iota3A_12 = tpu.iota {dimensions = array<i32: 0>} : vector<16xi32>
    %add3A_13 = vector.broadcast %add3A_11 : i32 to vector<16xi32>
    %add3A_14 = arith.addi %add3A_13, %iota3A_12 : vector<16xi32>
    %swap3A_15 = arith.constant 16 : index
    %swap3A_16 = tpu.vector_load %arg9[%swap3A_15] {strides = array<i32>} : memref<64xi32, #tpu.memory_space<vmem>>, vector<16xi32>,
    %swap3A_17 = vector.shape_cast %swap3A_16 : vector<16xi32> to vector<16xi32>
    %swap3A_18 = vector.shape_cast %add3A_14 : vector<16xi32> to vector<16xi32>
    tpu.vector_store %arg9[%swap3A_15], %swap3A_18 {strides = array<i32>} : memref<64xi32, #tpu.memory_space<vmem>>, vector<16xi32>,
    %add3A_19 = arith.constant 32 : i32
    %add3A_20 = arith.addi %mul3A_2, %add3A_19 : i32
    %iota3A_21 = tpu.iota {dimensions = array<i32: 0>} : vector<16xi32>
    %add3A_22 = vector.broadcast %add3A_20 : i32 to vector<16xi32>
    %add3A_23 = arith.addi %add3A_22, %iota3A_21 : vector<16xi32>
    %swap3A_24 = arith.constant 32 : index
    %swap3A_25 = tpu.vector_load %arg9[%swap3A_24] {strides = array<i32>} : memref<64xi32, #tpu.memory_space<vmem>>, vector<16xi32>,
    %swap3A_26 = vector.shape_cast %swap3A_25 : vector<16xi32> to vector<16xi32>
    %swap3A_27 = vector.shape_cast %add3A_23 : vector<16xi32> to vector<16xi32>
    tpu.vector_store %arg9[%swap3A_24], %swap3A_27 {strides = array<i32>} : memref<64xi32, #tpu.memory_space<vmem>>, vector<16xi32>,
    %add3A_28 = arith.constant 48 : i32
    %add3A_29 = arith.addi %mul3A_2, %add3A_28 : i32
    %iota3A_30 = tpu.iota {dimensions = array<i32: 0>} : vector<16xi32>
    %add3A_31 = vector.broadcast %add3A_29 : i32 to vector<16xi32>
    %add3A_32 = arith.addi %add3A_31, %iota3A_30 : vector<16xi32>
    %swap3A_33 = arith.constant 48 : index
    %swap3A_34 = tpu.vector_load %arg9[%swap3A_33] {strides = array<i32>} : memref<64xi32, #tpu.memory_space<vmem>>, vector<16xi32>,
    %swap3A_35 = vector.shape_cast %swap3A_34 : vector<16xi32> to vector<16xi32>
    %swap3A_36 = vector.shape_cast %add3A_32 : vector<16xi32> to vector<16xi32>
    tpu.vector_store %arg9[%swap3A_33], %swap3A_36 {strides = array<i32>} : memref<64xi32, #tpu.memory_space<vmem>>, vector<16xi32>,
    "tpu.region"() ({
      %run_scoped3A = tpu.sem_alloc : memref<!tpu.dma_semaphore, #tpu.memory_space<semaphore_mem>>
      %dma_start3A_65 = tpu.memref_slice %arg3[%mul3A_2] : memref<2048xi32, #tpu.memory_space<hbm>> -> memref<64xi32, #tpu.memory_space<hbm>>
      %dma_start3A_66 = tpu.memref_slice %arg3[%mul3A_2] : memref<2048xi32, #tpu.memory_space<hbm>> -> memref<64xi32, #tpu.memory_space<hbm>>
      tpu.enqueue_dma source(%dma_start3A_66 : memref<64xi32, #tpu.memory_space<hbm>>) target(%arg10 : memref<64xi32, #tpu.memory_space<vmem>>) target_semaphore(%run_scoped3A : memref<!tpu.dma_semaphore, #tpu.memory_space<semaphore_mem>>)
      %dma_wait3A_67 = tpu.memref_slice %arg3[%mul3A_2] : memref<2048xi32, #tpu.memory_space<hbm>> -> memref<64xi32, #tpu.memory_space<hbm>>
      %dma_wait3A_68 = tpu.memref_slice %arg3[%mul3A_2] : memref<2048xi32, #tpu.memory_space<hbm>> -> memref<64xi32, #tpu.memory_space<hbm>>
      tpu.wait_dma2 semaphore(%run_scoped3A : memref<!tpu.dma_semaphore, #tpu.memory_space<semaphore_mem>>) src(%dma_wait3A_68 : memref<64xi32, #tpu.memory_space<hbm>>) dst(%arg10 : memref<64xi32, #tpu.memory_space<vmem>>)
      tpu.yield
    }) : () -> ()
    "tpu.region"() ({
      %run_scoped3A = tpu.sem_alloc : memref<!tpu.dma_semaphore, #tpu.memory_space<semaphore_mem>>
      %dma_start3A_65 = tpu.memref_slice %arg4[%mul3A_2] : memref<2048xi32, #tpu.memory_space<hbm>> -> memref<64xi32, #tpu.memory_space<hbm>>
      %dma_start3A_66 = tpu.memref_slice %arg4[%mul3A_2] : memref<2048xi32, #tpu.memory_space<hbm>> -> memref<64xi32, #tpu.memory_space<hbm>>
      tpu.enqueue_dma source(%dma_start3A_66 : memref<64xi32, #tpu.memory_space<hbm>>) target(%arg11 : memref<64xi32, #tpu.memory_space<vmem>>) target_semaphore(%run_scoped3A : memref<!tpu.dma_semaphore, #tpu.memory_space<semaphore_mem>>)
      %dma_wait3A_67 = tpu.memref_slice %arg4[%mul3A_2] : memref<2048xi32, #tpu.memory_space<hbm>> -> memref<64xi32, #tpu.memory_space<hbm>>
      %dma_wait3A_68 = tpu.memref_slice %arg4[%mul3A_2] : memref<2048xi32, #tpu.memory_space<hbm>> -> memref<64xi32, #tpu.memory_space<hbm>>
      tpu.wait_dma2 semaphore(%run_scoped3A : memref<!tpu.dma_semaphore, #tpu.memory_space<semaphore_mem>>) src(%dma_wait3A_68 : memref<64xi32, #tpu.memory_space<hbm>>) dst(%arg11 : memref<64xi32, #tpu.memory_space<vmem>>)
      tpu.yield
    }) : () -> ()
    "tpu.region"() ({
      %run_scoped3A = tpu.sem_alloc : memref<!tpu.dma_semaphore, #tpu.memory_space<semaphore_mem>>
      %dma_start3A_65 = arith.constant 0 : i32
      %dma_start3A_66 = tpu.memref_slice %arg5[%mul3A_2, %dma_start3A_65] : memref<2048x128xf32, #tpu.memory_space<hbm>> -> memref<64x128xf32, #tpu.memory_space<hbm>>
      %dma_start3A_67 = arith.constant 0 : i32
      %dma_start3A_68 = tpu.memref_slice %arg5[%mul3A_2, %dma_start3A_67] : memref<2048x128xf32, #tpu.memory_space<hbm>> -> memref<64x128xf32, #tpu.memory_space<hbm>>
      tpu.enqueue_dma source(%dma_start3A_68 : memref<64x128xf32, #tpu.memory_space<hbm>>) target(%arg13 : memref<64x128xf32, #tpu.memory_space<vmem>>) target_semaphore(%run_scoped3A : memref<!tpu.dma_semaphore, #tpu.memory_space<semaphore_mem>>)
      %dma_wait3A_69 = arith.constant 0 : i32
      %dma_wait3A_70 = tpu.memref_slice %arg5[%mul3A_2, %dma_wait3A_69] : memref<2048x128xf32, #tpu.memory_space<hbm>> -> memref<64x128xf32, #tpu.memory_space<hbm>>
      %dma_wait3A_71 = arith.constant 0 : i32
      %dma_wait3A_72 = tpu.memref_slice %arg5[%mul3A_2, %dma_wait3A_71] : memref<2048x128xf32, #tpu.memory_space<hbm>> -> memref<64x128xf32, #tpu.memory_space<hbm>>
      tpu.wait_dma2 semaphore(%run_scoped3A : memref<!tpu.dma_semaphore, #tpu.memory_space<semaphore_mem>>) src(%dma_wait3A_72 : memref<64x128xf32, #tpu.memory_space<hbm>>) dst(%arg13 : memref<64x128xf32, #tpu.memory_space<vmem>>)
      tpu.yield
    }) : () -> ()
    "tpu.region"() ({
      %run_scoped3A = tpu.sem_alloc : memref<!tpu.dma_semaphore, #tpu.memory_space<semaphore_mem>>
      %dma_start3A_65 = arith.constant 0 : i32
      %dma_start3A_66 = tpu.memref_slice %arg6[%mul3A_2, %dma_start3A_65] : memref<2048x128xf32, #tpu.memory_space<hbm>> -> memref<64x128xf32, #tpu.memory_space<hbm>>
      %dma_start3A_67 = arith.constant 0 : i32
      %dma_start3A_68 = tpu.memref_slice %arg6[%mul3A_2, %dma_start3A_67] : memref<2048x128xf32, #tpu.memory_space<hbm>> -> memref<64x128xf32, #tpu.memory_space<hbm>>
      tpu.enqueue_dma source(%dma_start3A_68 : memref<64x128xf32, #tpu.memory_space<hbm>>) target(%arg14 : memref<64x128xf32, #tpu.memory_space<vmem>>) target_semaphore(%run_scoped3A : memref<!tpu.dma_semaphore, #tpu.memory_space<semaphore_mem>>)
      %dma_wait3A_69 = arith.constant 0 : i32
      %dma_wait3A_70 = tpu.memref_slice %arg6[%mul3A_2, %dma_wait3A_69] : memref<2048x128xf32, #tpu.memory_space<hbm>> -> memref<64x128xf32, #tpu.memory_space<hbm>>
      %dma_wait3A_71 = arith.constant 0 : i32
      %dma_wait3A_72 = tpu.memref_slice %arg6[%mul3A_2, %dma_wait3A_71] : memref<2048x128xf32, #tpu.memory_space<hbm>> -> memref<64x128xf32, #tpu.memory_space<hbm>>
      tpu.wait_dma2 semaphore(%run_scoped3A : memref<!tpu.dma_semaphore, #tpu.memory_space<semaphore_mem>>) src(%dma_wait3A_72 : memref<64x128xf32, #tpu.memory_space<hbm>>) dst(%arg14 : memref<64x128xf32, #tpu.memory_space<vmem>>)
      tpu.yield
    }) : () -> ()
    %dma_start3A = arith.constant 0 : i32
    %dma_start3A_37 = arith.constant 0 : i32
    %dma_start3A_38 = tpu.memref_slice %arg2[%dma_start3A, %dma_start3A_37] : memref<2048x768xf32, #tpu.memory_space<hbm>> -> memref<2048x768xf32, #tpu.memory_space<hbm>>
    tpu.enqueue_indirect_dma source(%dma_start3A_38 : memref<2048x768xf32, #tpu.memory_space<hbm>>) target(%arg12 : memref<64x768xf32, #tpu.memory_space<vmem>>) offsets(%arg9 : memref<64xi32, #tpu.memory_space<vmem>>) semaphore(%arg15 : memref<!tpu.dma_semaphore, #tpu.memory_space<semaphore_mem>>)
    %dma_wait3A = arith.constant 0 : i32
    %dma_wait3A_39 = arith.constant 0 : i32
    %dma_wait3A_40 = tpu.memref_slice %arg2[%dma_wait3A, %dma_wait3A_39] : memref<2048x768xf32, #tpu.memory_space<hbm>> -> memref<2048x768xf32, #tpu.memory_space<hbm>>
    tpu.wait_indirect_dma semaphore(%arg15 : memref<!tpu.dma_semaphore, #tpu.memory_space<semaphore_mem>>) src(%dma_wait3A_40 : memref<2048x768xf32, #tpu.memory_space<hbm>>) dst(%arg12 : memref<64x768xf32, #tpu.memory_space<vmem>>)
    %dma_start3A_41 = arith.constant 0 : i32
    %dma_start3A_42 = arith.constant 0 : i32
    %dma_start3A_43 = tpu.memref_slice %arg7[%dma_start3A_41, %dma_start3A_42] : memref<8192x768xf32, #tpu.memory_space<hbm>> -> memref<8192x768xf32, #tpu.memory_space<hbm>>
    tpu.enqueue_indirect_dma source(%arg12 : memref<64x768xf32, #tpu.memory_space<vmem>>) target(%dma_start3A_43 : memref<8192x768xf32, #tpu.memory_space<hbm>>) offsets(%arg10 : memref<64xi32, #tpu.memory_space<vmem>>) semaphore(%arg15 : memref<!tpu.dma_semaphore, #tpu.memory_space<semaphore_mem>>)
    %dma_wait3A_44 = arith.constant 0 : i32
    %dma_wait3A_45 = arith.constant 0 : i32
    %dma_wait3A_46 = tpu.memref_slice %arg7[%dma_wait3A_44, %dma_wait3A_45] : memref<8192x768xf32, #tpu.memory_space<hbm>> -> memref<8192x768xf32, #tpu.memory_space<hbm>>
    tpu.wait_indirect_dma semaphore(%arg15 : memref<!tpu.dma_semaphore, #tpu.memory_space<semaphore_mem>>) src(%arg12 : memref<64x768xf32, #tpu.memory_space<vmem>>) dst(%dma_wait3A_46 : memref<8192x768xf32, #tpu.memory_space<hbm>>)
    %dma_start3A_47 = arith.constant 0 : i32
    %dma_start3A_48 = arith.constant 0 : i32
    %dma_start3A_49 = tpu.memref_slice %arg7[%dma_start3A_47, %dma_start3A_48] : memref<8192x768xf32, #tpu.memory_space<hbm>> -> memref<8192x768xf32, #tpu.memory_space<hbm>>
    tpu.enqueue_indirect_dma source(%arg12 : memref<64x768xf32, #tpu.memory_space<vmem>>) target(%dma_start3A_49 : memref<8192x768xf32, #tpu.memory_space<hbm>>) offsets(%arg11 : memref<64xi32, #tpu.memory_space<vmem>>) semaphore(%arg15 : memref<!tpu.dma_semaphore, #tpu.memory_space<semaphore_mem>>)
    %dma_wait3A_50 = arith.constant 0 : i32
    %dma_wait3A_51 = arith.constant 0 : i32
    %dma_wait3A_52 = tpu.memref_slice %arg7[%dma_wait3A_50, %dma_wait3A_51] : memref<8192x768xf32, #tpu.memory_space<hbm>> -> memref<8192x768xf32, #tpu.memory_space<hbm>>
    tpu.wait_indirect_dma semaphore(%arg15 : memref<!tpu.dma_semaphore, #tpu.memory_space<semaphore_mem>>) src(%arg12 : memref<64x768xf32, #tpu.memory_space<vmem>>) dst(%dma_wait3A_52 : memref<8192x768xf32, #tpu.memory_space<hbm>>)
    %dma_start3A_53 = arith.constant 0 : i32
    %dma_start3A_54 = arith.constant 0 : i32
    %dma_start3A_55 = tpu.memref_slice %arg8[%dma_start3A_53, %dma_start3A_54] : memref<8192x128xf32, #tpu.memory_space<hbm>> -> memref<8192x128xf32, #tpu.memory_space<hbm>>
    tpu.enqueue_indirect_dma source(%arg13 : memref<64x128xf32, #tpu.memory_space<vmem>>) target(%dma_start3A_55 : memref<8192x128xf32, #tpu.memory_space<hbm>>) offsets(%arg10 : memref<64xi32, #tpu.memory_space<vmem>>) semaphore(%arg15 : memref<!tpu.dma_semaphore, #tpu.memory_space<semaphore_mem>>)
    %dma_wait3A_56 = arith.constant 0 : i32
    %dma_wait3A_57 = arith.constant 0 : i32
    %dma_wait3A_58 = tpu.memref_slice %arg8[%dma_wait3A_56, %dma_wait3A_57] : memref<8192x128xf32, #tpu.memory_space<hbm>> -> memref<8192x128xf32, #tpu.memory_space<hbm>>
    tpu.wait_indirect_dma semaphore(%arg15 : memref<!tpu.dma_semaphore, #tpu.memory_space<semaphore_mem>>) src(%arg13 : memref<64x128xf32, #tpu.memory_space<vmem>>) dst(%dma_wait3A_58 : memref<8192x128xf32, #tpu.memory_space<hbm>>)
    %dma_start3A_59 = arith.constant 0 : i32
    %dma_start3A_60 = arith.constant 0 : i32
    %dma_start3A_61 = tpu.memref_slice %arg8[%dma_start3A_59, %dma_start3A_60] : memref<8192x128xf32, #tpu.memory_space<hbm>> -> memref<8192x128xf32, #tpu.memory_space<hbm>>
    tpu.enqueue_indirect_dma source(%arg14 : memref<64x128xf32, #tpu.memory_space<vmem>>) target(%dma_start3A_61 : memref<8192x128xf32, #tpu.memory_space<hbm>>) offsets(%arg11 : memref<64xi32, #tpu.memory_space<vmem>>) semaphore(%arg15 : memref<!tpu.dma_semaphore, #tpu.memory_space<semaphore_mem>>)
    %dma_wait3A_62 = arith.constant 0 : i32
    %dma_wait3A_63 = arith.constant 0 : i32
    %dma_wait3A_64 = tpu.memref_slice %arg8[%dma_wait3A_62, %dma_wait3A_63] : memref<8192x128xf32, #tpu.memory_space<hbm>> -> memref<8192x128xf32, #tpu.memory_space<hbm>>
    tpu.wait_indirect_dma semaphore(%arg15 : memref<!tpu.dma_semaphore, #tpu.memory_space<semaphore_mem>>) src(%arg14 : memref<64x128xf32, #tpu.memory_space<vmem>>) dst(%dma_wait3A_64 : memref<8192x128xf32, #tpu.memory_space<hbm>>)
    return
  }
}

module attributes {stable_mosaic.version = 14 : i64} {
  func.func @_stage_a_body(%arg0: memref<2048x768xf32, #tpu.memory_space<vmem>>, %arg1: memref<16x768xf32, #tpu.memory_space<vmem>>, %arg2: memref<1x16xf32, #tpu.memory_space<vmem>>, %arg3: memref<2048x1xi32, #tpu.memory_space<vmem>>, %arg4: memref<2048x1xi32, #tpu.memory_space<vmem>>, %arg5: memref<2048x128xf32, #tpu.memory_space<vmem>>, %arg6: memref<2048x128xf32, #tpu.memory_space<vmem>>, %arg7: memref<32x1xi32, #tpu.memory_space<vmem>>) attributes {dimension_semantics = [], scalar_prefetch = 0 : i64, scratch_operands = 0 : i64, tpu.core_type = #tpu.core_type<tc>} {
    %iota3A = tpu.iota {dimensions = array<i32: 1>} : vector<2048x16xi32>
    %get3A = arith.constant 0 : index
    %get3A_0 = arith.constant 0 : index
    %get3A_1 = vector.load %arg0[%get3A, %get3A_0] : memref<2048x768xf32, #tpu.memory_space<vmem>>, vector<2048x768xf32>
    %get3A_2 = arith.constant 0 : index
    %get3A_3 = arith.constant 0 : index
    %get3A_4 = vector.load %arg1[%get3A_2, %get3A_3] : memref<16x768xf32, #tpu.memory_space<vmem>>, vector<16x768xf32>
    %dot_general3A = arith.constant dense<0.000000e+00> : vector<2048x16xf32>
    %dot_general3A_5 = tpu.matmul %get3A_1, %get3A_4, %dot_general3A {dimension_numbers = #tpu.dot_dimension_numbers<[1], [1], [0], [0], [0, 0, 1, 0], [], []>, transpose_lhs_hint = false} : vector<2048x768xf32>, vector<16x768xf32>, vector<2048x16xf32> -> vector<2048x16xf32>
    %get3A_6 = arith.constant 0 : index
    %get3A_7 = arith.constant 0 : index
    %get3A_8 = vector.load %arg2[%get3A_6, %get3A_7] : memref<1x16xf32, #tpu.memory_space<vmem>>, vector<1x16xf32>
    %add3A = vector.broadcast %get3A_8 : vector<1x16xf32> to vector<2048x16xf32>
    %add3A_9 = arith.addf %dot_general3A_5, %add3A : vector<2048x16xf32>
    %reduce_max3A = arith.constant dense<0xFF800000> : vector<2048xf32>
    %reduce_max3A_10 = vector.multi_reduction <maximumf>, %add3A_9, %reduce_max3A [1] : vector<2048x16xf32> to vector<2048xf32>
    %broadcast_in_dim3A = vector.shape_cast %reduce_max3A_10 : vector<2048xf32> to vector<2048x1xf32>
    %eq3A = vector.broadcast %broadcast_in_dim3A : vector<2048x1xf32> to vector<2048x16xf32>
    %eq3A_11 = arith.cmpf oeq, %add3A_9, %eq3A : vector<2048x16xf32>
    %jit3A = arith.constant 16 : i32
    %broadcast_in_dim3A_12 = vector.broadcast %jit3A : i32 to vector<2048x16xi32>
    %select_n3A = arith.select %eq3A_11, %iota3A, %broadcast_in_dim3A_12 : vector<2048x16xi1>, vector<2048x16xi32>
    %reduce_min3A = arith.constant dense<2147483647> : vector<2048xi32>
    %reduce_min3A_13 = vector.multi_reduction <minsi>, %select_n3A, %reduce_min3A [1] : vector<2048x16xi32> to vector<2048xi32>
    %broadcast_in_dim3A_14 = vector.shape_cast %reduce_min3A_13 : vector<2048xi32> to vector<2048x1xi32>
    %eq3A_15 = vector.broadcast %broadcast_in_dim3A_14 : vector<2048x1xi32> to vector<2048x16xi32>
    %eq3A_16 = arith.cmpi eq, %iota3A, %eq3A_15 : vector<2048x16xi32>
    %jit3A_17 = arith.constant 0xFF800000 : f32
    %broadcast_in_dim3A_18 = vector.broadcast %jit3A_17 : f32 to vector<2048x16xf32>
    %select_n3A_19 = arith.select %eq3A_16, %broadcast_in_dim3A_18, %add3A_9 : vector<2048x16xi1>, vector<2048x16xf32>
    %reduce_max3A_20 = arith.constant dense<0xFF800000> : vector<2048xf32>
    %reduce_max3A_21 = vector.multi_reduction <maximumf>, %select_n3A_19, %reduce_max3A_20 [1] : vector<2048x16xf32> to vector<2048xf32>
    %broadcast_in_dim3A_22 = vector.shape_cast %reduce_max3A_21 : vector<2048xf32> to vector<2048x1xf32>
    %eq3A_23 = vector.broadcast %broadcast_in_dim3A_22 : vector<2048x1xf32> to vector<2048x16xf32>
    %eq3A_24 = arith.cmpf oeq, %select_n3A_19, %eq3A_23 : vector<2048x16xf32>
    %jit3A_25 = arith.constant 16 : i32
    %broadcast_in_dim3A_26 = vector.broadcast %jit3A_25 : i32 to vector<2048x16xi32>
    %select_n3A_27 = arith.select %eq3A_24, %iota3A, %broadcast_in_dim3A_26 : vector<2048x16xi1>, vector<2048x16xi32>
    %reduce_min3A_28 = arith.constant dense<2147483647> : vector<2048xi32>
    %reduce_min3A_29 = vector.multi_reduction <minsi>, %select_n3A_27, %reduce_min3A_28 [1] : vector<2048x16xi32> to vector<2048xi32>
    %broadcast_in_dim3A_30 = vector.shape_cast %reduce_min3A_29 : vector<2048xi32> to vector<2048x1xi32>
    %sub3A = arith.subf %broadcast_in_dim3A, %broadcast_in_dim3A_22 : vector<2048x1xf32>
    %logistic3A = arith.negf %sub3A : vector<2048x1xf32>
    %logistic3A_31 = math.exp %logistic3A : vector<2048x1xf32>
    %logistic3A_32 = arith.constant 1.000000e+00 : f32
    %logistic3A_33 = vector.broadcast %logistic3A_32 : f32 to vector<2048x1xf32>
    %logistic3A_34 = arith.addf %logistic3A_33, %logistic3A_31 : vector<2048x1xf32>
    %logistic3A_35 = arith.divf %logistic3A_33, %logistic3A_34 : vector<2048x1xf32>
    %broadcast_in_dim3A_36 = vector.shape_cast %logistic3A_35 : vector<2048x1xf32> to vector<2048x1xf32>
    %broadcast_in_dim3A_37 = vector.broadcast %broadcast_in_dim3A_36 : vector<2048x1xf32> to vector<2048x128xf32>
    %swap3A = arith.constant 0 : index
    %swap3A_38 = arith.constant 0 : index
    %swap3A_39 = vector.load %arg5[%swap3A, %swap3A_38] : memref<2048x128xf32, #tpu.memory_space<vmem>>, vector<2048x128xf32>
    tpu.vector_store %arg5[%swap3A, %swap3A_38], %broadcast_in_dim3A_37 {strides = array<i32>} : memref<2048x128xf32, #tpu.memory_space<vmem>>, vector<2048x128xf32>,
    %sub3A_40 = arith.subf %broadcast_in_dim3A_22, %broadcast_in_dim3A : vector<2048x1xf32>
    %logistic3A_41 = arith.negf %sub3A_40 : vector<2048x1xf32>
    %logistic3A_42 = math.exp %logistic3A_41 : vector<2048x1xf32>
    %logistic3A_43 = arith.constant 1.000000e+00 : f32
    %logistic3A_44 = vector.broadcast %logistic3A_43 : f32 to vector<2048x1xf32>
    %logistic3A_45 = arith.addf %logistic3A_44, %logistic3A_42 : vector<2048x1xf32>
    %logistic3A_46 = arith.divf %logistic3A_44, %logistic3A_45 : vector<2048x1xf32>
    %broadcast_in_dim3A_47 = vector.shape_cast %logistic3A_46 : vector<2048x1xf32> to vector<2048x1xf32>
    %broadcast_in_dim3A_48 = vector.broadcast %broadcast_in_dim3A_47 : vector<2048x1xf32> to vector<2048x128xf32>
    %swap3A_49 = arith.constant 0 : index
    %swap3A_50 = arith.constant 0 : index
    %swap3A_51 = vector.load %arg6[%swap3A_49, %swap3A_50] : memref<2048x128xf32, #tpu.memory_space<vmem>>, vector<2048x128xf32>
    tpu.vector_store %arg6[%swap3A_49, %swap3A_50], %broadcast_in_dim3A_48 {strides = array<i32>} : memref<2048x128xf32, #tpu.memory_space<vmem>>, vector<2048x128xf32>,
    %eq3A_52 = vector.broadcast %broadcast_in_dim3A_14 : vector<2048x1xi32> to vector<2048x16xi32>
    %eq3A_53 = arith.cmpi eq, %iota3A, %eq3A_52 : vector<2048x16xi32>
    %convert_element_type3A = arith.extui %eq3A_53 : vector<2048x16xi1> to vector<2048x16xi32>
    %convert_element_type3A_54 = arith.sitofp %convert_element_type3A : vector<2048x16xi32> to vector<2048x16xf32>
    %eq3A_55 = vector.broadcast %broadcast_in_dim3A_30 : vector<2048x1xi32> to vector<2048x16xi32>
    %eq3A_56 = arith.cmpi eq, %iota3A, %eq3A_55 : vector<2048x16xi32>
    %convert_element_type3A_57 = arith.extui %eq3A_56 : vector<2048x16xi1> to vector<2048x16xi32>
    %convert_element_type3A_58 = arith.sitofp %convert_element_type3A_57 : vector<2048x16xi32> to vector<2048x16xf32>
    %add3A_59 = arith.addf %convert_element_type3A_54, %convert_element_type3A_58 : vector<2048x16xf32>
    %iota3A_60 = tpu.iota {dimensions = array<i32: 0>} : vector<256x256xi32>
    %iota3A_61 = tpu.iota {dimensions = array<i32: 1>} : vector<256x256xi32>
    %gt3A = arith.cmpi sgt, %iota3A_60, %iota3A_61 : vector<256x256xi32>
    %convert_element_type3A_62 = arith.extui %gt3A : vector<256x256xi1> to vector<256x256xi32>
    %convert_element_type3A_63 = arith.sitofp %convert_element_type3A_62 : vector<256x256xi32> to vector<256x256xf32>
    %broadcast_in_dim3A_64 = arith.constant 0.000000e+00 : f32
    %broadcast_in_dim3A_65 = vector.broadcast %broadcast_in_dim3A_64 : f32 to vector<1x16xf32>
    %slice3A = vector.extract_strided_slice %add3A_59 {offsets = [0, 0], sizes = [256, 16], strides = [1, 1]} : vector<2048x16xf32> to vector<256x16xf32>
    %dot_general3A_66 = arith.constant dense<0.000000e+00> : vector<256x16xf32>
    %dot_general3A_67 = tpu.matmul %convert_element_type3A_63, %slice3A, %dot_general3A_66 {dimension_numbers = #tpu.dot_dimension_numbers<[1], [0], [0], [1], [0, 0, 1, 1], [], []>, transpose_lhs_hint = false} : vector<256x256xf32>, vector<256x16xf32>, vector<256x16xf32> -> vector<256x16xf32>
    %add3A_68 = vector.broadcast %broadcast_in_dim3A_65 : vector<1x16xf32> to vector<256x16xf32>
    %add3A_69 = arith.addf %dot_general3A_67, %add3A_68 : vector<256x16xf32>
    %reduce_sum3A = arith.constant dense<0.000000e+00> : vector<16xf32>
    %reduce_sum3A_70 = vector.multi_reduction <add>, %slice3A, %reduce_sum3A [0] : vector<256x16xf32> to vector<16xf32>
    %broadcast_in_dim3A_71 = vector.shape_cast %reduce_sum3A_70 : vector<16xf32> to vector<1x16xf32>
    %add3A_72 = arith.addf %broadcast_in_dim3A_65, %broadcast_in_dim3A_71 : vector<1x16xf32>
    %slice3A_73 = vector.extract_strided_slice %add3A_59 {offsets = [256, 0], sizes = [256, 16], strides = [1, 1]} : vector<2048x16xf32> to vector<256x16xf32>
    %dot_general3A_74 = arith.constant dense<0.000000e+00> : vector<256x16xf32>
    %dot_general3A_75 = tpu.matmul %convert_element_type3A_63, %slice3A_73, %dot_general3A_74 {dimension_numbers = #tpu.dot_dimension_numbers<[1], [0], [0], [1], [0, 0, 1, 1], [], []>, transpose_lhs_hint = false} : vector<256x256xf32>, vector<256x16xf32>, vector<256x16xf32> -> vector<256x16xf32>
    %add3A_76 = vector.broadcast %add3A_72 : vector<1x16xf32> to vector<256x16xf32>
    %add3A_77 = arith.addf %dot_general3A_75, %add3A_76 : vector<256x16xf32>
    %reduce_sum3A_78 = arith.constant dense<0.000000e+00> : vector<16xf32>
    %reduce_sum3A_79 = vector.multi_reduction <add>, %slice3A_73, %reduce_sum3A_78 [0] : vector<256x16xf32> to vector<16xf32>
    %broadcast_in_dim3A_80 = vector.shape_cast %reduce_sum3A_79 : vector<16xf32> to vector<1x16xf32>
    %add3A_81 = arith.addf %add3A_72, %broadcast_in_dim3A_80 : vector<1x16xf32>
    %slice3A_82 = vector.extract_strided_slice %add3A_59 {offsets = [512, 0], sizes = [256, 16], strides = [1, 1]} : vector<2048x16xf32> to vector<256x16xf32>
    %dot_general3A_83 = arith.constant dense<0.000000e+00> : vector<256x16xf32>
    %dot_general3A_84 = tpu.matmul %convert_element_type3A_63, %slice3A_82, %dot_general3A_83 {dimension_numbers = #tpu.dot_dimension_numbers<[1], [0], [0], [1], [0, 0, 1, 1], [], []>, transpose_lhs_hint = false} : vector<256x256xf32>, vector<256x16xf32>, vector<256x16xf32> -> vector<256x16xf32>
    %add3A_85 = vector.broadcast %add3A_81 : vector<1x16xf32> to vector<256x16xf32>
    %add3A_86 = arith.addf %dot_general3A_84, %add3A_85 : vector<256x16xf32>
    %reduce_sum3A_87 = arith.constant dense<0.000000e+00> : vector<16xf32>
    %reduce_sum3A_88 = vector.multi_reduction <add>, %slice3A_82, %reduce_sum3A_87 [0] : vector<256x16xf32> to vector<16xf32>
    %broadcast_in_dim3A_89 = vector.shape_cast %reduce_sum3A_88 : vector<16xf32> to vector<1x16xf32>
    %add3A_90 = arith.addf %add3A_81, %broadcast_in_dim3A_89 : vector<1x16xf32>
    %slice3A_91 = vector.extract_strided_slice %add3A_59 {offsets = [768, 0], sizes = [256, 16], strides = [1, 1]} : vector<2048x16xf32> to vector<256x16xf32>
    %dot_general3A_92 = arith.constant dense<0.000000e+00> : vector<256x16xf32>
    %dot_general3A_93 = tpu.matmul %convert_element_type3A_63, %slice3A_91, %dot_general3A_92 {dimension_numbers = #tpu.dot_dimension_numbers<[1], [0], [0], [1], [0, 0, 1, 1], [], []>, transpose_lhs_hint = false} : vector<256x256xf32>, vector<256x16xf32>, vector<256x16xf32> -> vector<256x16xf32>
    %add3A_94 = vector.broadcast %add3A_90 : vector<1x16xf32> to vector<256x16xf32>
    %add3A_95 = arith.addf %dot_general3A_93, %add3A_94 : vector<256x16xf32>
    %reduce_sum3A_96 = arith.constant dense<0.000000e+00> : vector<16xf32>
    %reduce_sum3A_97 = vector.multi_reduction <add>, %slice3A_91, %reduce_sum3A_96 [0] : vector<256x16xf32> to vector<16xf32>
    %broadcast_in_dim3A_98 = vector.shape_cast %reduce_sum3A_97 : vector<16xf32> to vector<1x16xf32>
    %add3A_99 = arith.addf %add3A_90, %broadcast_in_dim3A_98 : vector<1x16xf32>
    %slice3A_100 = vector.extract_strided_slice %add3A_59 {offsets = [1024, 0], sizes = [256, 16], strides = [1, 1]} : vector<2048x16xf32> to vector<256x16xf32>
    %dot_general3A_101 = arith.constant dense<0.000000e+00> : vector<256x16xf32>
    %dot_general3A_102 = tpu.matmul %convert_element_type3A_63, %slice3A_100, %dot_general3A_101 {dimension_numbers = #tpu.dot_dimension_numbers<[1], [0], [0], [1], [0, 0, 1, 1], [], []>, transpose_lhs_hint = false} : vector<256x256xf32>, vector<256x16xf32>, vector<256x16xf32> -> vector<256x16xf32>
    %add3A_103 = vector.broadcast %add3A_99 : vector<1x16xf32> to vector<256x16xf32>
    %add3A_104 = arith.addf %dot_general3A_102, %add3A_103 : vector<256x16xf32>
    %reduce_sum3A_105 = arith.constant dense<0.000000e+00> : vector<16xf32>
    %reduce_sum3A_106 = vector.multi_reduction <add>, %slice3A_100, %reduce_sum3A_105 [0] : vector<256x16xf32> to vector<16xf32>
    %broadcast_in_dim3A_107 = vector.shape_cast %reduce_sum3A_106 : vector<16xf32> to vector<1x16xf32>
    %add3A_108 = arith.addf %add3A_99, %broadcast_in_dim3A_107 : vector<1x16xf32>
    %slice3A_109 = vector.extract_strided_slice %add3A_59 {offsets = [1280, 0], sizes = [256, 16], strides = [1, 1]} : vector<2048x16xf32> to vector<256x16xf32>
    %dot_general3A_110 = arith.constant dense<0.000000e+00> : vector<256x16xf32>
    %dot_general3A_111 = tpu.matmul %convert_element_type3A_63, %slice3A_109, %dot_general3A_110 {dimension_numbers = #tpu.dot_dimension_numbers<[1], [0], [0], [1], [0, 0, 1, 1], [], []>, transpose_lhs_hint = false} : vector<256x256xf32>, vector<256x16xf32>, vector<256x16xf32> -> vector<256x16xf32>
    %add3A_112 = vector.broadcast %add3A_108 : vector<1x16xf32> to vector<256x16xf32>
    %add3A_113 = arith.addf %dot_general3A_111, %add3A_112 : vector<256x16xf32>
    %reduce_sum3A_114 = arith.constant dense<0.000000e+00> : vector<16xf32>
    %reduce_sum3A_115 = vector.multi_reduction <add>, %slice3A_109, %reduce_sum3A_114 [0] : vector<256x16xf32> to vector<16xf32>
    %broadcast_in_dim3A_116 = vector.shape_cast %reduce_sum3A_115 : vector<16xf32> to vector<1x16xf32>
    %add3A_117 = arith.addf %add3A_108, %broadcast_in_dim3A_116 : vector<1x16xf32>
    %slice3A_118 = vector.extract_strided_slice %add3A_59 {offsets = [1536, 0], sizes = [256, 16], strides = [1, 1]} : vector<2048x16xf32> to vector<256x16xf32>
    %dot_general3A_119 = arith.constant dense<0.000000e+00> : vector<256x16xf32>
    %dot_general3A_120 = tpu.matmul %convert_element_type3A_63, %slice3A_118, %dot_general3A_119 {dimension_numbers = #tpu.dot_dimension_numbers<[1], [0], [0], [1], [0, 0, 1, 1], [], []>, transpose_lhs_hint = false} : vector<256x256xf32>, vector<256x16xf32>, vector<256x16xf32> -> vector<256x16xf32>
    %add3A_121 = vector.broadcast %add3A_117 : vector<1x16xf32> to vector<256x16xf32>
    %add3A_122 = arith.addf %dot_general3A_120, %add3A_121 : vector<256x16xf32>
    %reduce_sum3A_123 = arith.constant dense<0.000000e+00> : vector<16xf32>
    %reduce_sum3A_124 = vector.multi_reduction <add>, %slice3A_118, %reduce_sum3A_123 [0] : vector<256x16xf32> to vector<16xf32>
    %broadcast_in_dim3A_125 = vector.shape_cast %reduce_sum3A_124 : vector<16xf32> to vector<1x16xf32>
    %add3A_126 = arith.addf %add3A_117, %broadcast_in_dim3A_125 : vector<1x16xf32>
    %slice3A_127 = vector.extract_strided_slice %add3A_59 {offsets = [1792, 0], sizes = [256, 16], strides = [1, 1]} : vector<2048x16xf32> to vector<256x16xf32>
    %dot_general3A_128 = arith.constant dense<0.000000e+00> : vector<256x16xf32>
    %dot_general3A_129 = tpu.matmul %convert_element_type3A_63, %slice3A_127, %dot_general3A_128 {dimension_numbers = #tpu.dot_dimension_numbers<[1], [0], [0], [1], [0, 0, 1, 1], [], []>, transpose_lhs_hint = false} : vector<256x256xf32>, vector<256x16xf32>, vector<256x16xf32> -> vector<256x16xf32>
    %add3A_130 = vector.broadcast %add3A_126 : vector<1x16xf32> to vector<256x16xf32>
    %add3A_131 = arith.addf %dot_general3A_129, %add3A_130 : vector<256x16xf32>
    %reduce_sum3A_132 = arith.constant dense<0.000000e+00> : vector<16xf32>
    %reduce_sum3A_133 = vector.multi_reduction <add>, %slice3A_127, %reduce_sum3A_132 [0] : vector<256x16xf32> to vector<16xf32>
    %broadcast_in_dim3A_134 = vector.shape_cast %reduce_sum3A_133 : vector<16xf32> to vector<1x16xf32>
    %add3A_135 = arith.addf %add3A_126, %broadcast_in_dim3A_134 : vector<1x16xf32>
    %concatenate3A = tpu.concatenate %add3A_69, %add3A_77, %add3A_86, %add3A_95, %add3A_104, %add3A_113, %add3A_122, %add3A_131 in 0 : vector<256x16xf32>, vector<256x16xf32>, vector<256x16xf32>, vector<256x16xf32>, vector<256x16xf32>, vector<256x16xf32>, vector<256x16xf32>, vector<256x16xf32> -> vector<2048x16xf32>
    %div3A = arith.constant 2.560000e+02 : f32
    %div3A_136 = vector.broadcast %div3A : f32 to vector<1x16xf32>
    %div3A_137 = arith.divf %add3A_135, %div3A_136 : vector<1x16xf32>
    %ceil3A = math.ceil %div3A_137 : vector<1x16xf32>
    %mul3A = arith.constant 2.560000e+02 : f32
    %mul3A_138 = vector.broadcast %mul3A : f32 to vector<1x16xf32>
    %mul3A_139 = arith.mulf %ceil3A, %mul3A_138 : vector<1x16xf32>
    %iota3A_140 = tpu.iota {dimensions = array<i32: 0>} : vector<16x16xi32>
    %iota3A_141 = tpu.iota {dimensions = array<i32: 1>} : vector<16x16xi32>
    %lt3A = arith.cmpi slt, %iota3A_140, %iota3A_141 : vector<16x16xi32>
    %convert_element_type3A_142 = arith.extui %lt3A : vector<16x16xi1> to vector<16x16xi32>
    %convert_element_type3A_143 = arith.sitofp %convert_element_type3A_142 : vector<16x16xi32> to vector<16x16xf32>
    %dot_general3A_144 = arith.constant dense<0.000000e+00> : vector<1x16xf32>
    %dot_general3A_145 = tpu.matmul %mul3A_139, %convert_element_type3A_143, %dot_general3A_144 {dimension_numbers = #tpu.dot_dimension_numbers<[1], [0], [0], [1], [0, 0, 1, 1], [], []>, transpose_lhs_hint = false} : vector<1x16xf32>, vector<16x16xf32>, vector<1x16xf32> -> vector<1x16xf32>
    %add3A_146 = vector.broadcast %dot_general3A_145 : vector<1x16xf32> to vector<2048x16xf32>
    %add3A_147 = arith.addf %add3A_146, %concatenate3A : vector<2048x16xf32>
    %mul3A_148 = arith.mulf %convert_element_type3A_54, %add3A_147 : vector<2048x16xf32>
    %reduce_sum3A_149 = arith.constant dense<0.000000e+00> : vector<2048xf32>
    %reduce_sum3A_150 = vector.multi_reduction <add>, %mul3A_148, %reduce_sum3A_149 [1] : vector<2048x16xf32> to vector<2048xf32>
    %broadcast_in_dim3A_151 = vector.shape_cast %reduce_sum3A_150 : vector<2048xf32> to vector<2048x1xf32>
    %convert_element_type3A_152 = arith.fptosi %broadcast_in_dim3A_151 : vector<2048x1xf32> to vector<2048x1xi32>
    %swap3A_153 = arith.constant 0 : index
    %swap3A_154 = arith.constant 0 : index
    %swap3A_155 = vector.load %arg3[%swap3A_153, %swap3A_154] : memref<2048x1xi32, #tpu.memory_space<vmem>>, vector<2048x1xi32>
    tpu.vector_store %arg3[%swap3A_153, %swap3A_154], %convert_element_type3A_152 {strides = array<i32>} : memref<2048x1xi32, #tpu.memory_space<vmem>>, vector<2048x1xi32>,
    %mul3A_156 = arith.mulf %convert_element_type3A_58, %add3A_147 : vector<2048x16xf32>
    %reduce_sum3A_157 = arith.constant dense<0.000000e+00> : vector<2048xf32>
    %reduce_sum3A_158 = vector.multi_reduction <add>, %mul3A_156, %reduce_sum3A_157 [1] : vector<2048x16xf32> to vector<2048xf32>
    %broadcast_in_dim3A_159 = vector.shape_cast %reduce_sum3A_158 : vector<2048xf32> to vector<2048x1xf32>
    %convert_element_type3A_160 = arith.fptosi %broadcast_in_dim3A_159 : vector<2048x1xf32> to vector<2048x1xi32>
    %swap3A_161 = arith.constant 0 : index
    %swap3A_162 = arith.constant 0 : index
    %swap3A_163 = vector.load %arg4[%swap3A_161, %swap3A_162] : memref<2048x1xi32, #tpu.memory_space<vmem>>, vector<2048x1xi32>
    tpu.vector_store %arg4[%swap3A_161, %swap3A_162], %convert_element_type3A_160 {strides = array<i32>} : memref<2048x1xi32, #tpu.memory_space<vmem>>, vector<2048x1xi32>,
    %iota3A_164 = tpu.iota {dimensions = array<i32: 0>} : vector<32x16xi32>
    %mul3A_165 = arith.constant 256 : i32
    %mul3A_166 = vector.broadcast %mul3A_165 : i32 to vector<32x16xi32>
    %mul3A_167 = arith.muli %iota3A_164, %mul3A_166 : vector<32x16xi32>
    %convert_element_type3A_168 = arith.sitofp %mul3A_167 : vector<32x16xi32> to vector<32x16xf32>
    %broadcast_in_dim3A_169 = vector.shape_cast %dot_general3A_145 : vector<1x16xf32> to vector<1x16xf32>
    %broadcast_in_dim3A_170 = vector.broadcast %broadcast_in_dim3A_169 : vector<1x16xf32> to vector<32x16xf32>
    %le3A = arith.cmpf ole, %broadcast_in_dim3A_170, %convert_element_type3A_168 : vector<32x16xf32>
    %convert_element_type3A_171 = arith.extui %le3A : vector<32x16xi1> to vector<32x16xi32>
    %convert_element_type3A_172 = arith.sitofp %convert_element_type3A_171 : vector<32x16xi32> to vector<32x16xf32>
    %reduce_sum3A_173 = arith.constant dense<0.000000e+00> : vector<32xf32>
    %reduce_sum3A_174 = vector.multi_reduction <add>, %convert_element_type3A_172, %reduce_sum3A_173 [1] : vector<32x16xf32> to vector<32xf32>
    %broadcast_in_dim3A_175 = vector.shape_cast %reduce_sum3A_174 : vector<32xf32> to vector<32x1xf32>
    %sub3A_176 = arith.constant 1.000000e+00 : f32
    %sub3A_177 = vector.broadcast %sub3A_176 : f32 to vector<32x1xf32>
    %sub3A_178 = arith.subf %broadcast_in_dim3A_175, %sub3A_177 : vector<32x1xf32>
    %jit3A_179 = arith.constant 0.000000e+00 : f32
    %jit3A_180 = arith.constant 1.500000e+01 : f32
    %max3A = vector.broadcast %jit3A_179 : f32 to vector<32x1xf32>
    %max3A_181 = arith.maximumf %max3A, %sub3A_178 : vector<32x1xf32>
    %min3A = vector.broadcast %jit3A_180 : f32 to vector<32x1xf32>
    %min3A_182 = arith.minimumf %min3A, %max3A_181 : vector<32x1xf32>
    %convert_element_type3A_183 = arith.fptosi %min3A_182 : vector<32x1xf32> to vector<32x1xi32>
    %swap3A_184 = arith.constant 0 : index
    %swap3A_185 = arith.constant 0 : index
    %swap3A_186 = vector.load %arg7[%swap3A_184, %swap3A_185] : memref<32x1xi32, #tpu.memory_space<vmem>>, vector<32x1xi32>
    tpu.vector_store %arg7[%swap3A_184, %swap3A_185], %convert_element_type3A_183 {strides = array<i32>} : memref<32x1xi32, #tpu.memory_space<vmem>>, vector<32x1xi32>,
    return
  }
}

module attributes {stable_mosaic.version = 14 : i64} {
  func.func @_stage_c_body(%arg0: i32, %arg1: memref<32xi32, #tpu.memory_space<smem>>, %arg2: memref<256x768xf32, #tpu.memory_space<vmem>>, %arg3: memref<256x128xf32, #tpu.memory_space<vmem>>, %arg4: memref<1x512x768xf32, #tpu.memory_space<vmem>>, %arg5: memref<1x1x512xf32, #tpu.memory_space<vmem>>, %arg6: memref<1x768x512xf32, #tpu.memory_space<vmem>>, %arg7: memref<1x1x768xf32, #tpu.memory_space<vmem>>, %arg8: memref<256x768xf32, #tpu.memory_space<vmem>>) attributes {dimension_semantics = [#tpu.dimension_semantics<arbitrary>], iteration_bounds = array<i64: 32>, scalar_prefetch = 1 : i64, scratch_operands = 0 : i64, tpu.core_type = #tpu.core_type<tc>, window_params = [{transform_indices = @transform_0, window_bounds = array<i64: 256, 768>}, {transform_indices = @transform_1, window_bounds = array<i64: 256, 128>}, {transform_indices = @transform_2, window_bounds = array<i64: 1, 512, 768>}, {transform_indices = @transform_3, window_bounds = array<i64: 1, 1, 512>}, {transform_indices = @transform_4, window_bounds = array<i64: 1, 768, 512>}, {transform_indices = @transform_5, window_bounds = array<i64: 1, 1, 768>}, {transform_indices = @transform_6, window_bounds = array<i64: 256, 768>}]} {
    %get3A = arith.constant 0 : index
    %get3A_0 = arith.constant 0 : index
    %get3A_1 = vector.load %arg2[%get3A, %get3A_0] : memref<256x768xf32, #tpu.memory_space<vmem>>, vector<256x768xf32>
    %get3A_2 = arith.constant 0 : index
    %get3A_3 = arith.constant 0 : index
    %get3A_4 = arith.constant 0 : index
    %get3A_5 = vector.load %arg4[%get3A_2, %get3A_3, %get3A_4] : memref<1x512x768xf32, #tpu.memory_space<vmem>>, vector<1x512x768xf32>
    %get3A_6 = vector.shape_cast %get3A_5 : vector<1x512x768xf32> to vector<512x768xf32>
    %dot_general3A = arith.constant dense<0.000000e+00> : vector<256x512xf32>
    %dot_general3A_7 = tpu.matmul %get3A_1, %get3A_6, %dot_general3A {dimension_numbers = #tpu.dot_dimension_numbers<[1], [1], [0], [0], [0, 0, 1, 0], [], []>, transpose_lhs_hint = false} : vector<256x768xf32>, vector<512x768xf32>, vector<256x512xf32> -> vector<256x512xf32>
    %get3A_8 = arith.constant 0 : index
    %get3A_9 = arith.constant 0 : index
    %get3A_10 = arith.constant 0 : index
    %get3A_11 = vector.load %arg5[%get3A_8, %get3A_9, %get3A_10] : memref<1x1x512xf32, #tpu.memory_space<vmem>>, vector<1x1x512xf32>
    %get3A_12 = vector.shape_cast %get3A_11 : vector<1x1x512xf32> to vector<1x512xf32>
    %add3A = vector.broadcast %get3A_12 : vector<1x512xf32> to vector<256x512xf32>
    %add3A_13 = arith.addf %dot_general3A_7, %add3A : vector<256x512xf32>
    %max3A = arith.constant 0.000000e+00 : f32
    %max3A_14 = vector.broadcast %max3A : f32 to vector<256x512xf32>
    %max3A_15 = arith.maximumf %add3A_13, %max3A_14 : vector<256x512xf32>
    %get3A_16 = arith.constant 0 : index
    %get3A_17 = arith.constant 0 : index
    %get3A_18 = arith.constant 0 : index
    %get3A_19 = vector.load %arg6[%get3A_16, %get3A_17, %get3A_18] : memref<1x768x512xf32, #tpu.memory_space<vmem>>, vector<1x768x512xf32>
    %get3A_20 = vector.shape_cast %get3A_19 : vector<1x768x512xf32> to vector<768x512xf32>
    %dot_general3A_21 = arith.constant dense<0.000000e+00> : vector<256x768xf32>
    %dot_general3A_22 = tpu.matmul %max3A_15, %get3A_20, %dot_general3A_21 {dimension_numbers = #tpu.dot_dimension_numbers<[1], [1], [0], [0], [0, 0, 1, 0], [], []>, transpose_lhs_hint = false} : vector<256x512xf32>, vector<768x512xf32>, vector<256x768xf32> -> vector<256x768xf32>
    %get3A_23 = arith.constant 0 : index
    %get3A_24 = arith.constant 0 : index
    %get3A_25 = arith.constant 0 : index
    %get3A_26 = vector.load %arg7[%get3A_23, %get3A_24, %get3A_25] : memref<1x1x768xf32, #tpu.memory_space<vmem>>, vector<1x1x768xf32>
    %get3A_27 = vector.shape_cast %get3A_26 : vector<1x1x768xf32> to vector<1x768xf32>
    %add3A_28 = vector.broadcast %get3A_27 : vector<1x768xf32> to vector<256x768xf32>
    %add3A_29 = arith.addf %dot_general3A_22, %add3A_28 : vector<256x768xf32>
    %get3A_30 = arith.constant 0 : index
    %get3A_31 = arith.constant 0 : index
    %get3A_32 = vector.load %arg3[%get3A_30, %get3A_31] : memref<256x128xf32, #tpu.memory_space<vmem>>, vector<256x128xf32>
    %reduce_max3A = arith.constant dense<0xFF800000> : vector<256xf32>
    %reduce_max3A_33 = vector.multi_reduction <maximumf>, %get3A_32, %reduce_max3A [1] : vector<256x128xf32> to vector<256xf32>
    %broadcast_in_dim3A = vector.shape_cast %reduce_max3A_33 : vector<256xf32> to vector<256x1xf32>
    %max3A_34 = arith.constant 0.000000e+00 : f32
    %max3A_35 = vector.broadcast %max3A_34 : f32 to vector<256x768xf32>
    %max3A_36 = arith.maximumf %add3A_29, %max3A_35 : vector<256x768xf32>
    %mul3A = vector.broadcast %broadcast_in_dim3A : vector<256x1xf32> to vector<256x768xf32>
    %mul3A_37 = arith.mulf %max3A_36, %mul3A : vector<256x768xf32>
    %swap3A = arith.constant 0 : index
    %swap3A_38 = arith.constant 0 : index
    %swap3A_39 = vector.load %arg8[%swap3A, %swap3A_38] : memref<256x768xf32, #tpu.memory_space<vmem>>, vector<256x768xf32>
    tpu.vector_store %arg8[%swap3A, %swap3A_38], %mul3A_37 {strides = array<i32>} : memref<256x768xf32, #tpu.memory_space<vmem>>, vector<256x768xf32>,
    return
  }
  func.func @transform_0(%arg0: i32, %arg1: memref<32xi32, #tpu.memory_space<smem>>) -> (i32, i32) {
    %c0_i32 = arith.constant 0 : i32
    %c0_i32_0 = arith.constant 0 : i32
    return %arg0, %c0_i32 : i32, i32
  }
  func.func @transform_1(%arg0: i32, %arg1: memref<32xi32, #tpu.memory_space<smem>>) -> (i32, i32) {
    %c0_i32 = arith.constant 0 : i32
    %c0_i32_0 = arith.constant 0 : i32
    return %arg0, %c0_i32 : i32, i32
  }
  func.func @transform_2(%arg0: i32, %arg1: memref<32xi32, #tpu.memory_space<smem>>) -> (i32, i32, i32) {
    %get3A = arith.index_cast %arg0 : i32 to index
    %get3A_0 = memref.load %arg1[%get3A] : memref<32xi32, #tpu.memory_space<smem>>
    %c0_i32 = arith.constant 0 : i32
    %c0_i32_1 = arith.constant 0 : i32
    %c0_i32_2 = arith.constant 0 : i32
    return %get3A_0, %c0_i32, %c0_i32_1 : i32, i32, i32
  }
  func.func @transform_3(%arg0: i32, %arg1: memref<32xi32, #tpu.memory_space<smem>>) -> (i32, i32, i32) {
    %get3A = arith.index_cast %arg0 : i32 to index
    %get3A_0 = memref.load %arg1[%get3A] : memref<32xi32, #tpu.memory_space<smem>>
    %c0_i32 = arith.constant 0 : i32
    %c0_i32_1 = arith.constant 0 : i32
    %c0_i32_2 = arith.constant 0 : i32
    return %get3A_0, %c0_i32, %c0_i32_1 : i32, i32, i32
  }
  func.func @transform_4(%arg0: i32, %arg1: memref<32xi32, #tpu.memory_space<smem>>) -> (i32, i32, i32) {
    %get3A = arith.index_cast %arg0 : i32 to index
    %get3A_0 = memref.load %arg1[%get3A] : memref<32xi32, #tpu.memory_space<smem>>
    %c0_i32 = arith.constant 0 : i32
    %c0_i32_1 = arith.constant 0 : i32
    %c0_i32_2 = arith.constant 0 : i32
    return %get3A_0, %c0_i32, %c0_i32_1 : i32, i32, i32
  }
  func.func @transform_5(%arg0: i32, %arg1: memref<32xi32, #tpu.memory_space<smem>>) -> (i32, i32, i32) {
    %get3A = arith.index_cast %arg0 : i32 to index
    %get3A_0 = memref.load %arg1[%get3A] : memref<32xi32, #tpu.memory_space<smem>>
    %c0_i32 = arith.constant 0 : i32
    %c0_i32_1 = arith.constant 0 : i32
    %c0_i32_2 = arith.constant 0 : i32
    return %get3A_0, %c0_i32, %c0_i32_1 : i32, i32, i32
  }
  func.func @transform_6(%arg0: i32, %arg1: memref<32xi32, #tpu.memory_space<smem>>) -> (i32, i32) {
    %c0_i32 = arith.constant 0 : i32
    %c0_i32_0 = arith.constant 0 : i32
    return %arg0, %c0_i32 : i32, i32
  }
}

</mosaic_0001>

<sc_bundles>
// kernel: kernel.6.cloned.1.call-start
scs
__scs_entry_jumppad:
0x0: {  	(pc) =	sbr.rel $0x88, $3  }
0x1: {  	(tag) =	ssettag $0x0;
	lr =	simm.s32 $0x1  }
0x2: {  	[smem:$0x3F99] =	sst lr;
	_ =	strace $0xD0000000  }
0x3: {  	_ = 	snop  }
0x4: {  	_ = 	snop  }
0x5: {  	_ = 	snop  }
0x6: {  	_ = 	snop  }
0x7: {  	_ = 	snop  }
__scs_overlays_trampoline_lowered:
0x8: {  	[smem:$0x3FA8] =	sst s0  }
0x9: {  	[smem:$0x3FA9] =	sst s1  }
0xa: {  	[smem:$0x3FAA] =	sst s2  }
0xb: {  	[smem:$0x3FAB] =	sst s3  }
0xc: {  	[smem:$0x3FAC] =	sst s4  }
0xd: {  	[smem:$0x3FAD] =	sst s5  }
0xe: {  	[smem:$0x3FAE] =	sst s6  }
0xf: {  	[smem:$0x3FAF] =	sst s7  }
0x10: {  	[smem:$0x3FB0] =	sst s8  }
0x11: {  	[smem:$0x3FB1] =	sst s9;
	s0 =	simm.s32 @!p0 $0x0  }
0x12: {  	s1 =	sld [smem:$0x3F97];
	s0 =	simm.s32 @p0 $0x1  }
0x13: {  	[smem:$0x3FB2] =	sst s0;
	s0 =	simm.s32 @!p1 $0x0  }
0x14: {  	s2 =	sld [smem:$0x3F96];
	s0 =	simm.s32 @p1 $0x1  }
0x15: {  	[smem:$0x3FB3] =	sst s0;
	s0 =	simm.s32 @!p2 $0x0  }
0x16: {  	s3 =	sld [smem:$0x3FDB];
	s0 =	simm.s32 @p2 $0x1  }
0x17: {  	s4 =	simm.s32 $0x1BF5;
	[smem:$0x3FB5] =	sst s0  }
0x18: {  	s0 =	sld [smem:$0x3F98];
	_ =	swait.ge [sflag:s4], $0x0  }
0x19: {  	s7 =	sld [smem:$0x3F99]  }
0x1a: {  	s8 =	sadd.s32 $0xFFFFE003, lr  }
0x1b: {  	s9 =	sadd.s32 $0xFFFFFEF7, lr;
	s5 =	simm.s32 $0xFFFFFFFF;
	p2 =	slt.u32 s8, $0xFFFFF086  }
0x1c: {  	p1 =	slt.u32 s9, $0xF7A;
	s5 =	simm.s32 @!p2 $0x0  }
0x1d: {  	s5 =	simm.s32 @p1 $0x1;
	p0 =	seq.s32 s7, s2  }
0x1e: {  	s7 =	smul.u32 @!p0 $0xF7A, s2;
	p2 =	seq.s32 @!p0 s5, $0x0  }
0x1f: {  	s9 =	smul.u32 $0xF7A, s1;
	s8 =	simm.s32 @!p0 $0x1BF5;
	p2 =	por !p2, p0  }
0x20: {  	[sflag:s8] =	ssyncset.s32 @!p0 $0xFFFFF086;
	s6 =	sadd.s32 @!p0 s3, s7;
	s7 =	simm.s32 @!p0 $0x108  }
0x21: {  	s3 =	sadd.s32 s3, s9;
	s6 =	sadd.s32 @!p0 $0x88, s6;
	s7 =	simm.s32 @p2 $0x1082  }
0x22: {  	[simem:s7], [sflag:s8] =	dma.local @!p0 [hbm:s6], $0xF7A  }
0x23: {  	s9 =	sor.u32 $0xD0000000, s2;
	s6 =	simm.s32 $0x108;
	_ =	swait.ge @!p0 [sflag:s8], $0x0  }
0x24: {  	s3 =	sadd.s32 $0x88, s3;
	s6 =	simm.s32 @!p1 $0x1082;
	[sflag:s4] =	ssyncset.s32 $0xFFFFF086  }
0x25: {  	[simem:s6], [sflag:s4] =	dma.local [hbm:s3], $0xF7A  }
0x26: {  	[smem:$0x3F99] =	sst s1;
	(tag) =	ssettag s2;
	_ =	strace s9  }
0x27: {  	s1 =	sld [smem:$0x3FA9]  }
0x28: {  	s2 =	sld [smem:$0x3FAA]  }
0x29: {  	s4 =	sld [smem:$0x3FAC]  }
0x2a: {  	p0 =	seq.s32 s5, $0x0;
	s5 =	sld [smem:$0x3FAD]  }
0x2b: {  	s6 =	sld [smem:$0x3FAE]  }
0x2c: {  	s7 =	sld [smem:$0x3FAF]  }
0x2d: {  	s3 =	simm.s32 $0x108;
	s8 =	sld [smem:$0x3FB0]  }
0x2e: {  	s3 =	simm.s32 @!p0 $0x1082;
	s9 =	sld [smem:$0x3FB1]  }
0x2f: {  	lr =	sadd.s32 s0, s3;
	s0 =	sld [smem:$0x3FA8]  }
0x30: {  	s3 =	sld [smem:$0x3FAB]  }
0x31: {  	[smem:$0x3FB4] =	sst s10  }
0x32: {  	s10 =	sld [smem:$0x3FB2];
	_ =	sdelay $0x3  }
0x33: {  	p0 =	seq.s32 s10, $0x1;
	s10 =	sld [smem:$0x3FB4];
	_ =	sdelay $0x3  }
0x34: {  	[smem:$0x3FB4] =	sst s10  }
0x35: {  	s10 =	sld [smem:$0x3FB3];
	_ =	sdelay $0x3  }
0x36: {  	p1 =	seq.s32 s10, $0x1;
	s10 =	sld [smem:$0x3FB4];
	_ =	sdelay $0x3  }
0x37: {  	[smem:$0x3FB4] =	sst s10  }
0x38: {  	s10 =	sld [smem:$0x3FB5]  }
0x39: {  	_ = 	snop;
	(pc) =	sbr.ind lr, $3  }
0x3a: {  	_ = 	snop  }
0x3b: {  	_ = 	snop  }
0x3c: {  	p2 =	seq.s32 s10, $0x1;
	s10 =	sld [smem:$0x3FB4]  }
0x3d: {  	_ =	shalt  }
0x3e: {  	_ =	shalt  }
0x3f: {  	_ =	shalt  }
0x40: {  	_ =	shalt  }
0x41: {  	_ =	shalt  }
0x42: {  	_ =	shalt  }
0x43: {  	_ =	shalt  }
0x44: {  	_ =	shalt  }
0x45: {  	_ =	shalt  }
0x46: {  	_ =	shalt  }
0x47: {  	_ =	shalt  }
0x48: {  	_ =	shalt  }
0x49: {  	_ =	shalt  }
0x4a: {  	_ =	shalt  }
0x4b: {  	_ =	shalt  }
0x4c: {  	_ =	shalt  }
0x4d: {  	_ =	shalt  }
0x4e: {  	_ =	shalt  }
0x4f: {  	_ =	shalt  }
0x50: {  	_ =	shalt  }
0x51: {  	_ =	shalt  }
0x52: {  	_ =	shalt  }
0x53: {  	_ =	shalt  }
0x54: {  	_ =	shalt  }
0x55: {  	_ =	shalt  }
0x56: {  	_ =	shalt  }
0x57: {  	_ =	shalt  }
0x58: {  	_ =	shalt  }
0x59: {  	_ =	shalt  }
0x5a: {  	_ =	shalt  }
0x5b: {  	_ =	shalt  }
0x5c: {  	_ =	shalt  }
0x5d: {  	_ =	shalt  }
0x5e: {  	_ =	shalt  }
0x5f: {  	_ =	shalt  }
0x60: {  	_ =	shalt  }
0x61: {  	_ =	shalt  }
0x62: {  	_ =	shalt  }
0x63: {  	_ =	shalt  }
0x64: {  	_ =	shalt  }
0x65: {  	_ =	shalt  }
0x66: {  	_ =	shalt  }
0x67: {  	_ =	shalt  }
0x68: {  	_ =	shalt  }
0x69: {  	_ =	shalt  }
0x6a: {  	_ =	shalt  }
0x6b: {  	_ =	shalt  }
0x6c: {  	_ =	shalt  }
0x6d: {  	_ =	shalt  }
0x6e: {  	_ =	shalt  }
0x6f: {  	_ =	shalt  }
0x70: {  	_ =	shalt  }
0x71: {  	_ =	shalt  }
0x72: {  	_ =	shalt  }
0x73: {  	_ =	shalt  }
0x74: {  	_ =	shalt  }
0x75: {  	_ =	shalt  }
0x76: {  	_ =	shalt  }
0x77: {  	_ =	shalt  }
0x78: {  	_ =	shalt  }
0x79: {  	_ =	shalt  }
0x7a: {  	_ =	shalt  }
0x7b: {  	_ =	shalt  }
0x7c: {  	_ =	shalt  }
0x7d: {  	_ =	shalt  }
0x7e: {  	_ =	shalt  }
0x7f: {  	_ =	shalt  }
0x80: {  	_ =	shalt  }
0x81: {  	_ =	shalt  }
0x82: {  	_ =	shalt  }
0x83: {  	_ =	shalt  }
0x84: {  	_ =	shalt  }
0x85: {  	_ =	shalt  }
0x86: {  	_ =	shalt  }
0x87: {  	_ =	shalt  }
.Lfunc_end0:
.L_simem_size_0:
called_computation_lowered:
.L_overlay_start_0:
0x88: {  	s2 =	sld [smem:$0x3FD9]  }
0x89: {  	s3 =	sld [smem:$0x3FFE];
	_ =	sdelay $0x1  }
0x8a: {  	s1 =	srdreg.scid  }
0x8b: {  	s0 =	sand.u32 $0x1, s1  }
0x8c: {  	s17 =	sshll.u32 s0, $0xA;
	s2 =	sadd.s32 s3, s2  }
0x8d: {  	s2 =	sadd.s32 s2, s17  }
0x8e: {  	[smem:$0x3FC0] =	sst s2  }
0x8f: {  	_ = 	snop  }
0x90: {  	s2 =	sld [smem:$0x3FC9]  }
0x91: {  	s18 =	sld [smem:$0x3FD0];
	(tm) =	ssettm $0x1  }
0x92: {  	s4 =	sld [smem:$0x3FFB];
	_ =	sdelay $0x3  }
0x93: {  	_ =	strace s4  }
0x94: {  	s4 =	sld [smem:$0x3FFC];
	_ =	sdelay $0x3  }
0x95: {  	_ =	strace s4  }
0x96: {  	s4 =	sld [smem:$0x3FFD];
	_ =	sdelay $0x3  }
0x97: {  	_ =	strace s4  }
0x98: {  	_ =	strace $0x8FFFFFFF  }
0x99: {  	s19 =	sld [smem:$0x3FDB];
	_ =	sdelay $0x1  }
0x9a: {  	s5 =	simm.s32 $_scs_section_size  }
0x9b: {  	s6 =	simm.s32 $_size__tile_overlayer_lowered;
	s7 =	simm.s32 $_tile_overlayer_lowered  }
0x9c: {  	s22 =	simm.s32 $0x1BFF;
	s21 =	sshll.u32 s7, $0x1;
	s4 =	sadd.s32 s5, s19  }
0x9d: {  	s8 =	simm.s32 $0x0;
	s20 =	sshll.u32 s6, $0x1;
	s6 =	sadd.s32 s21, s4  }
0x9e: {  	[timem:s8], [sflag:s22] =	dma.local [hbm:s6], s20  }
0x9f: {  	_ =	swait.ge [sflag:s22], s20  }
0xa0: {  	s5 =	ssub.s32 $0x0, s20;
	[sflag:s22] =	ssyncset.done $0x0  }
0xa1: {  	[sflag:s22] =	ssyncadd.s32 s5;
	_ =	sdelay $0x1  }
0xa2: {  	s23 =	simm.s32 $0x1B8B  }
0xa3: {  	_ =	swait.ge [sflag:s23], $0x1  }
0xa4: {  	[sflag:s23] =	ssyncset.done $0x0  }
0xa5: {  	s25 =	simm.s32 $0x1B8E;
	s24 =	sld [smem:$0x3FFE];
	[sflag:s23] =	ssyncadd.s32 $0xFFFFFFFF  }
0xa6: {  	s26 =	simm.s32 $execute0_lowered;
	[smem:$0x3FD2] =	sst s25  }
0xa7: {  	s6 =	sshll.u32 s26, $0x1;
	_ =	strace $0x80000046;
	[dreg:$0x1] =	wrdreg $0xFFFFFFFF  }
0xa8: {  	s28 =	simm.s32 $_size_execute0_lowered;
	s4 =	sadd.s32 s4, s6;
	[dreg:$0x0] =	wrdreg $0x0  }
0xa9: {  	s6 =	sshll.u32 s28, $0x1;
	[dreg:$0x2] =	wrdreg s4  }
0xaa: {  	[dreg:$0x3] =	wrdreg s6  }
0xab: {  	[dreg:$0x4] =	wrdreg $0xC0  }
0xac: {  	_ =	task [dreg:s8], $0x5FFFF  }
0xad: {  	[dreg:$0x1] =	wrdreg $0xFFFFFFFF  }
0xae: {  	[dreg:$0x0] =	wrdreg $0x60  }
0xaf: {  	[dreg:$0x2] =	wrdreg s2  }
0xb0: {  	[dreg:$0x3] =	wrdreg s24  }
0xb1: {  	[dreg:$0x4] =	wrdreg s18  }
0xb2: {  	[dreg:$0x5] =	wrdreg $0x9  }
0xb3: {  	_ =	task.clear_ibuf [dreg:s8], $0x6FFFF;
	_ =	strace $0x90000046  }
0xb4: {  	s29 =	simm.s32 $0x9;
	_ =	strace $0x80000048  }
0xb5: {  	_ =	swait.ge [sflag:s29], $0x1  }
0xb6: {  	[sflag:s29] =	ssyncadd.s32 $0xFFFFFFFF  }
0xb7: {  	_ =	strace $0x90000048  }
0xb8: {  	_ =	sfence  }
0xb9: {  	s30 =	sld [smem:$0x0];
	_ =	sdelay $0x2  }
0xba: {  	s31 =	sshll.u32 s1, $0xD;
	s1 =	sshrl.u32 s1, $0x2  }
0xbb: {  	s3 =	sand.u32 $0x4000, s31;
	s1 =	sadd.s32 s1, s30  }
0xbc: {  	s0 =	sor.u32 s3, s0;
	s1 =	sshll.u32 s1, $0x11  }
0xbd: {  	s0 =	sor.u32 s1, s0  }
0xbe: {  	s0 =	sadd.s32 $0x8F2B, s0  }
0xbf: {  	[sflag:s0] =	ssyncadd.remote.s32 $0x1  }
0xc0: {  	_ =	sfence.sel $0xFFFF  }
0xc1: {  	[dreg:$0x0] =	wrdreg $0xFFFFFFFF;
	(pc) =	sbr.abs _section_cstart, $3  }
0xc2: {  	[dreg:$0x1] =	wrdreg $0xFFFFFFFF  }
0xc3: {  	_ =	task.clear_ibuf [dreg:s8], $0x2FFFF;
	_ =	strace $0x9FFFFFFF  }
0xc4: {  	(tm) =	ssettm $0x7FFFFFFF  }
0xc5: {  	_ =	shalt  }
tec
execute0_lowered:
.L_overlay_start_1:
0x0: {  	(tag) =	ssettag $0x1  }
0x1: {  	s1 =	rddreg [dreg:$0x0];
	s0 =	srdreg.scid  }
0x2: {  	s2 =	rddreg [dreg:$0x1];
	s3 =	stileid.u32  }
0x3: {  	s4 =	simm.s32 $0x0;
	s12 =	simm.s32 $0x2;
	s18 =	simm.s32 $0x1  }
0x4: {  	s24 =	simm.s32 $0x980;
	s25 =	simm.s32 $0x1180;
	s28 =	simm.s32 $0x2180  }
0x5: {  	s29 =	simm.s32 $0x2980;
	s30 =	simm.s32 $0x3180;
	s31 =	simm.s32 $0x3980  }
0x6: {  	s15 =	simm.s32 $0x7180;
	s16 =	simm.s32 $0x7980;
	s17 =	simm.s32 $0x8180  }
0x7: {  	s20 =	simm.s32 $0x9180;
	s21 =	simm.s32 $0x9980;
	s22 =	simm.s32 $0xA180  }
0x8: {  	s23 =	simm.s32 $0xA980;
	s0 =	sand.u32 $0x1, s0;
	s3 =	sshll.u32 s3, $0x7  }
0x9: {  	[smem:$0x7FF] =	sst s4;
	s5 =	sshll.u32 s0, $0x6;
	s0 =	ssub.s32 $0x2, s0  }
0xa: {  	_ =	strace $0x80000047;
	s3 =	sor.u32 s5, s3;
	s9 =	sshrl.u32 s0, $0x1  }
0xb: {  	s5 =	sshrl.u32 s3, $0x3;
	s6 =	sshll.u32 s3, $0x4;
	s0 =	ssub.s32 s0, s9  }
0xc: {  	v6 =	vlaneseq.u32;
	s11 =	sor.u32 $0x10, s3;
	s13 =	sor.u32 $0x20, s3;
	s14 =	sor.u32 $0x30, s3  }
0xd: {  	s9 =	sadd.s32 $0x11400, s2;
	v0 =	vor.u32 s3, v6;
	s3 =	simm.s32 $0x5180;
	s7 =	sadd.s32 s5, s2  }
0xe: {  	s6 =	sadd.s32 s6, s2;
	s5 =	sadd.s32 $0x11200, s2;
	s8 =	sadd.s32 $0x10E00, s7  }
0xf: {  	s10 =	smax.u32 s0, $0x1;
	s7 =	sadd.s32 $0x11000, s7;
	[dreg:$0x4] =	wrdreg s8  }
0x10: {  	v1 =	vor.u32 s11, v6;
	s11 =	simm.s32 $0x5980;
	s26 =	sadd.s32 $0xE00, s6;
	[dreg:$0x5] =	wrdreg s7  }
0x11: {  	v2 =	vor.u32 s13, v6;
	s13 =	simm.s32 $0x6180;
	s6 =	sadd.s32 $0x8E00, s6;
	[dreg:$0x6] =	wrdreg s26  }
0x12: {  	vm0 =	vmmov $0xffff;
	v5 =	vshrl.u32 v6, $0x3;
	v3 =	vor.u32 s14, v6;
	s14 =	simm.s32 $0x6980;
	[dreg:$0x7] =	wrdreg s6;
	s6 =	sadd.s32 $0x100, s1  }
0x13: {  	v4 =	vand.u32 $0x7, v6;
	v5 =	vmul.u32 $0x8, v5;
	v6 =	vor.u32 $0x8, v6;
	s7 =	sadd.s32 $0x200, s1;
	s8 =	sadd.s32 $0x11300, s2;
	s26 =	simm.s32 $0x1980  }
.LBB2_1:
0x14: {  	[tilespmem:$0x0] =	vst v0  }
0x15: {  	[tilespmem:$0x10] =	vst v1  }
0x16: {  	[tilespmem:$0x20] =	vst v2  }
0x17: {  	s19 =	rddreg [dreg:$0x4];
	[tilespmem:$0x30] =	vst v3;
	s0 =	simm.s32 $0x80  }
0x18: {  	[tilespmem:s0], [sflag:$0x2] =	stream.linear.gather [hbm4b:s19+s4], $0x40, $0x38;
	[tilespmem:$0x10180] =	vst v63  }
0x19: {  	_ =	swait.ge [sflag:s12], $0x40  }
0x1a: {  	[sflag:s12] =	ssyncset.done $0x0  }
0x1b: {  	s2 =	simm.s32 $0x100;
	s1 =	rddreg [dreg:$0x5];
	[sflag:s12] =	ssyncadd.s32 $0xFFFFFFC0  }
0x1c: {  	[tilespmem:s2], [sflag:$0x2] =	stream.linear.gather [hbm4b:s1+s4], $0x40, $0x38;
	[tilespmem:$0x10180] =	vst v63  }
0x1d: {  	_ =	swait.ge [sflag:s12], $0x40  }
0x1e: {  	[sflag:s12] =	ssyncset.done $0x0  }
0x1f: {  	s2 =	simm.s32 $0xC180;
	s1 =	rddreg [dreg:$0x6];
	[sflag:s12] =	ssyncadd.s32 $0xFFFFFFC0  }
0x20: {  	[tilespmem:s2], [sflag:$0x2] =	stream.linear.gather [hbm4b:s1+s4], $0x2000, $0x38;
	[tilespmem:$0x10180] =	vst v63  }
0x21: {  	_ =	swait.ge [sflag:s12], $0x2000  }
0x22: {  	[sflag:s12] =	ssyncset.done $0x0  }
0x23: {  	s2 =	simm.s32 $0xE180;
	s1 =	rddreg [dreg:$0x7];
	[sflag:s12] =	ssyncadd.s32 $0xFFFFE000  }
0x24: {  	[tilespmem:s2], [sflag:$0x2] =	stream.linear.gather [hbm4b:s1+s4], $0x2000, $0x38;
	[tilespmem:$0x10180] =	vst v63  }
0x25: {  	_ =	swait.ge [sflag:s12], $0x2000  }
0x26: {  	[sflag:s12] =	ssyncset.done $0x0  }
0x27: {  	[sflag:s12] =	ssyncadd.s32 $0xFFFFE000  }
0x28: {  	v7 =	vld [tilespmem:$0x0];
	_ =	sdelay $0x4  }
0x29: {  	v8 =	vshrl.u32 v7, $0x3  }
0x2a: {  	v8 =	vmul.u32 $0x30, v8  }
0x2b: {  	v7 =	vand.u32 $0x7, v7  }
0x2c: {  	v7 =	vor.u32 v7, v8  }
0x2d: {  	v8 =	vperm.xlane v7, v4;
	_ =	sdelay $0x1  }
0x2e: {  	v8 =	vadd.s32 v5, v8;
	_ =	sdelay $0x3  }
0x2f: {  	s19 =	simm.s32 $0x180;
	s0 =	rddreg [dreg:$0x0];
	v7 =	vperm.xlane v7, v6  }
0x30: {  	[tilespmem:s19], [sflag:$0x1] =	stream.indirect_vreg.gather [hbm4b:s0+s4], $0x80, v8, vm0, $0xb8;
	[tilespmem:$0x10180] =	vst v63  }
0x31: {  	v7 =	vadd.s32 v5, v7  }
0x32: {  	[tilespmem:s24], [sflag:$0x1] =	stream.indirect_vreg.gather [hbm4b:s6+s4], $0x80, v8, vm0, $0xb8;
	[tilespmem:$0x10180] =	vst v63  }
0x33: {  	_ = 	snop  }
0x34: {  	[tilespmem:s25], [sflag:$0x1] =	stream.indirect_vreg.gather [hbm4b:s7+s4], $0x80, v8, vm0, $0xb8;
	[tilespmem:$0x10180] =	vst v63  }
0x35: {  	_ = 	snop  }
0x36: {  	[tilespmem:s26], [sflag:$0x1] =	stream.indirect_vreg.gather [hbm4b:s0+s4], $0x80, v7, vm0, $0xb8;
	[tilespmem:$0x10180] =	vst v63  }
0x37: {  	_ = 	snop  }
0x38: {  	[tilespmem:s28], [sflag:$0x1] =	stream.indirect_vreg.gather [hbm4b:s6+s4], $0x80, v7, vm0, $0xb8;
	[tilespmem:$0x10180] =	vst v63  }
0x39: {  	_ = 	snop  }
0x3a: {  	[tilespmem:s29], [sflag:$0x1] =	stream.indirect_vreg.gather [hbm4b:s7+s4], $0x80, v7, vm0, $0xb8;
	[tilespmem:$0x10180] =	vst v63  }
0x3b: {  	v7 =	vld [tilespmem:$0x10];
	_ =	sdelay $0x4  }
0x3c: {  	v8 =	vshrl.u32 v7, $0x3  }
0x3d: {  	v8 =	vmul.u32 $0x30, v8  }
0x3e: {  	v7 =	vand.u32 $0x7, v7  }
0x3f: {  	v7 =	vor.u32 v7, v8  }
0x40: {  	v8 =	vperm.xlane v7, v4;
	_ =	sdelay $0x1  }
0x41: {  	v8 =	vadd.s32 v5, v8;
	_ =	sdelay $0x3  }
0x42: {  	v7 =	vperm.xlane v7, v6  }
0x43: {  	[tilespmem:s30], [sflag:$0x1] =	stream.indirect_vreg.gather [hbm4b:s0+s4], $0x80, v8, vm0, $0xb8;
	[tilespmem:$0x10180] =	vst v63  }
0x44: {  	v7 =	vadd.s32 v5, v7  }
0x45: {  	[tilespmem:s31], [sflag:$0x1] =	stream.indirect_vreg.gather [hbm4b:s6+s4], $0x80, v8, vm0, $0xb8;
	[tilespmem:$0x10180] =	vst v63  }
0x46: {  	s1 =	simm.s32 $0x4180  }
0x47: {  	[tilespmem:s1], [sflag:$0x1] =	stream.indirect_vreg.gather [hbm4b:s7+s4], $0x80, v8, vm0, $0xb8;
	[tilespmem:$0x10180] =	vst v63  }
0x48: {  	s1 =	simm.s32 $0x4980  }
0x49: {  	[tilespmem:s1], [sflag:$0x1] =	stream.indirect_vreg.gather [hbm4b:s0+s4], $0x80, v7, vm0, $0xb8;
	[tilespmem:$0x10180] =	vst v63  }
0x4a: {  	_ = 	snop  }
0x4b: {  	[tilespmem:s3], [sflag:$0x1] =	stream.indirect_vreg.gather [hbm4b:s6+s4], $0x80, v7, vm0, $0xb8;
	[tilespmem:$0x10180] =	vst v63  }
0x4c: {  	_ = 	snop  }
0x4d: {  	[tilespmem:s11], [sflag:$0x1] =	stream.indirect_vreg.gather [hbm4b:s7+s4], $0x80, v7, vm0, $0xb8;
	[tilespmem:$0x10180] =	vst v63  }
0x4e: {  	v7 =	vld [tilespmem:$0x20];
	_ =	sdelay $0x4  }
0x4f: {  	v8 =	vshrl.u32 v7, $0x3  }
0x50: {  	v8 =	vmul.u32 $0x30, v8  }
0x51: {  	v7 =	vand.u32 $0x7, v7  }
0x52: {  	v7 =	vor.u32 v7, v8  }
0x53: {  	v8 =	vperm.xlane v7, v4;
	_ =	sdelay $0x1  }
0x54: {  	v8 =	vadd.s32 v5, v8;
	_ =	sdelay $0x3  }
0x55: {  	v7 =	vperm.xlane v7, v6  }
0x56: {  	[tilespmem:s13], [sflag:$0x1] =	stream.indirect_vreg.gather [hbm4b:s0+s4], $0x80, v8, vm0, $0xb8;
	[tilespmem:$0x10180] =	vst v63  }
0x57: {  	v7 =	vadd.s32 v5, v7  }
0x58: {  	[tilespmem:s14], [sflag:$0x1] =	stream.indirect_vreg.gather [hbm4b:s6+s4], $0x80, v8, vm0, $0xb8;
	[tilespmem:$0x10180] =	vst v63  }
0x59: {  	_ = 	snop  }
0x5a: {  	[tilespmem:s15], [sflag:$0x1] =	stream.indirect_vreg.gather [hbm4b:s7+s4], $0x80, v8, vm0, $0xb8;
	[tilespmem:$0x10180] =	vst v63  }
0x5b: {  	_ = 	snop  }
0x5c: {  	[tilespmem:s16], [sflag:$0x1] =	stream.indirect_vreg.gather [hbm4b:s0+s4], $0x80, v7, vm0, $0xb8;
	[tilespmem:$0x10180] =	vst v63  }
0x5d: {  	_ = 	snop  }
0x5e: {  	[tilespmem:s17], [sflag:$0x1] =	stream.indirect_vreg.gather [hbm4b:s6+s4], $0x80, v7, vm0, $0xb8;
	[tilespmem:$0x10180] =	vst v63  }
0x5f: {  	s1 =	simm.s32 $0x8980  }
0x60: {  	[tilespmem:s1], [sflag:$0x1] =	stream.indirect_vreg.gather [hbm4b:s7+s4], $0x80, v7, vm0, $0xb8;
	[tilespmem:$0x10180] =	vst v63  }
0x61: {  	v7 =	vld [tilespmem:$0x30];
	_ =	sdelay $0x4  }
0x62: {  	v8 =	vshrl.u32 v7, $0x3  }
0x63: {  	v8 =	vmul.u32 $0x30, v8  }
0x64: {  	v7 =	vand.u32 $0x7, v7  }
0x65: {  	v7 =	vor.u32 v7, v8  }
0x66: {  	v8 =	vperm.xlane v7, v4;
	_ =	sdelay $0x1  }
0x67: {  	v8 =	vadd.s32 v5, v8;
	_ =	sdelay $0x3  }
0x68: {  	v7 =	vperm.xlane v7, v6  }
0x69: {  	[tilespmem:s20], [sflag:$0x1] =	stream.indirect_vreg.gather [hbm4b:s0+s4], $0x80, v8, vm0, $0xb8;
	[tilespmem:$0x10180] =	vst v63  }
0x6a: {  	v7 =	vadd.s32 v5, v7  }
0x6b: {  	[tilespmem:s21], [sflag:$0x1] =	stream.indirect_vreg.gather [hbm4b:s6+s4], $0x80, v8, vm0, $0xb8;
	[tilespmem:$0x10180] =	vst v63  }
0x6c: {  	_ = 	snop  }
0x6d: {  	[tilespmem:s22], [sflag:$0x1] =	stream.indirect_vreg.gather [hbm4b:s7+s4], $0x80, v8, vm0, $0xb8;
	[tilespmem:$0x10180] =	vst v63  }
0x6e: {  	_ = 	snop  }
0x6f: {  	[tilespmem:s23], [sflag:$0x1] =	stream.indirect_vreg.gather [hbm4b:s0+s4], $0x80, v7, vm0, $0xb8;
	[tilespmem:$0x10180] =	vst v63  }
0x70: {  	s0 =	simm.s32 $0xB180  }
0x71: {  	[tilespmem:s0], [sflag:$0x1] =	stream.indirect_vreg.gather [hbm4b:s6+s4], $0x80, v7, vm0, $0xb8;
	[tilespmem:$0x10180] =	vst v63  }
0x72: {  	s0 =	simm.s32 $0xB980  }
0x73: {  	[tilespmem:s0], [sflag:$0x1] =	stream.indirect_vreg.gather [hbm4b:s7+s4], $0x80, v7, vm0, $0xb8;
	[tilespmem:$0x10180] =	vst v63  }
0x74: {  	_ =	swait.ge [sflag:s18], $0xC000  }
0x75: {  	[sflag:s18] =	ssyncset.done $0x0  }
0x76: {  	[sflag:s18] =	ssyncadd.s32 $0xFFFF4000  }
0x77: {  	v7 =	vld [tilespmem:$0x80];
	_ =	sdelay $0x4  }
0x78: {  	v8 =	vshrl.u32 v7, $0x3  }
0x79: {  	v8 =	vmul.u32 $0x30, v8  }
0x7a: {  	v7 =	vand.u32 $0x7, v7  }
0x7b: {  	v7 =	vor.u32 v7, v8  }
0x7c: {  	v8 =	vperm.xlane v7, v4;
	_ =	sdelay $0x1  }
0x7d: {  	v8 =	vadd.s32 v5, v8;
	_ =	sdelay $0x3  }
0x7e: {  	v7 =	vperm.xlane v7, v6  }
0x7f: {  	[hbm4b:s5+s4] =	stream.indirect_vreg.scatter [tilespmem:s19], [sflag:$0x1], $0x80, v8, vm0, $0xb8;
	[tilespmem:$0x10180] =	vst v63  }
0x80: {  	v7 =	vadd.s32 v5, v7  }
0x81: {  	[hbm4b:s8+s4] =	stream.indirect_vreg.scatter [tilespmem:s24], [sflag:$0x1], $0x80, v8, vm0, $0xb8;
	[tilespmem:$0x10180] =	vst v63  }
0x82: {  	_ = 	snop  }
0x83: {  	[hbm4b:s9+s4] =	stream.indirect_vreg.scatter [tilespmem:s25], [sflag:$0x1], $0x80, v8, vm0, $0xb8;
	[tilespmem:$0x10180] =	vst v63  }
0x84: {  	_ = 	snop  }
0x85: {  	[hbm4b:s5+s4] =	stream.indirect_vreg.scatter [tilespmem:s26], [sflag:$0x1], $0x80, v7, vm0, $0xb8;
	[tilespmem:$0x10180] =	vst v63  }
0x86: {  	_ = 	snop  }
0x87: {  	[hbm4b:s8+s4] =	stream.indirect_vreg.scatter [tilespmem:s28], [sflag:$0x1], $0x80, v7, vm0, $0xb8;
	[tilespmem:$0x10180] =	vst v63  }
0x88: {  	_ = 	snop  }
0x89: {  	[hbm4b:s9+s4] =	stream.indirect_vreg.scatter [tilespmem:s29], [sflag:$0x1], $0x80, v7, vm0, $0xb8;
	[tilespmem:$0x10180] =	vst v63  }
0x8a: {  	v7 =	vld [tilespmem:$0x90];
	_ =	sdelay $0x4  }
0x8b: {  	v8 =	vshrl.u32 v7, $0x3  }
0x8c: {  	v8 =	vmul.u32 $0x30, v8  }
0x8d: {  	v7 =	vand.u32 $0x7, v7  }
0x8e: {  	v7 =	vor.u32 v7, v8  }
0x8f: {  	v8 =	vperm.xlane v7, v4;
	_ =	sdelay $0x1  }
0x90: {  	v8 =	vadd.s32 v5, v8;
	_ =	sdelay $0x3  }
0x91: {  	v7 =	vperm.xlane v7, v6  }
0x92: {  	[hbm4b:s5+s4] =	stream.indirect_vreg.scatter [tilespmem:s30], [sflag:$0x1], $0x80, v8, vm0, $0xb8;
	[tilespmem:$0x10180] =	vst v63  }
0x93: {  	v7 =	vadd.s32 v5, v7  }
0x94: {  	[hbm4b:s8+s4] =	stream.indirect_vreg.scatter [tilespmem:s31], [sflag:$0x1], $0x80, v8, vm0, $0xb8;
	[tilespmem:$0x10180] =	vst v63  }
0x95: {  	s2 =	simm.s32 $0x4180  }
0x96: {  	[hbm4b:s9+s4] =	stream.indirect_vreg.scatter [tilespmem:s2], [sflag:$0x1], $0x80, v8, vm0, $0xb8;
	[tilespmem:$0x10180] =	vst v63  }
0x97: {  	s2 =	simm.s32 $0x4980  }
0x98: {  	[hbm4b:s5+s4] =	stream.indirect_vreg.scatter [tilespmem:s2], [sflag:$0x1], $0x80, v7, vm0, $0xb8;
	[tilespmem:$0x10180] =	vst v63  }
0x99: {  	_ = 	snop  }
0x9a: {  	[hbm4b:s8+s4] =	stream.indirect_vreg.scatter [tilespmem:s3], [sflag:$0x1], $0x80, v7, vm0, $0xb8;
	[tilespmem:$0x10180] =	vst v63  }
0x9b: {  	_ = 	snop  }
0x9c: {  	[hbm4b:s9+s4] =	stream.indirect_vreg.scatter [tilespmem:s11], [sflag:$0x1], $0x80, v7, vm0, $0xb8;
	[tilespmem:$0x10180] =	vst v63  }
0x9d: {  	v7 =	vld [tilespmem:$0xA0];
	_ =	sdelay $0x4  }
0x9e: {  	v8 =	vshrl.u32 v7, $0x3  }
0x9f: {  	v8 =	vmul.u32 $0x30, v8  }
0xa0: {  	v7 =	vand.u32 $0x7, v7  }
0xa1: {  	v7 =	vor.u32 v7, v8  }
0xa2: {  	v8 =	vperm.xlane v7, v4;
	_ =	sdelay $0x1  }
0xa3: {  	v8 =	vadd.s32 v5, v8;
	_ =	sdelay $0x3  }
0xa4: {  	v7 =	vperm.xlane v7, v6  }
0xa5: {  	[hbm4b:s5+s4] =	stream.indirect_vreg.scatter [tilespmem:s13], [sflag:$0x1], $0x80, v8, vm0, $0xb8;
	[tilespmem:$0x10180] =	vst v63  }
0xa6: {  	v7 =	vadd.s32 v5, v7  }
0xa7: {  	[hbm4b:s8+s4] =	stream.indirect_vreg.scatter [tilespmem:s14], [sflag:$0x1], $0x80, v8, vm0, $0xb8;
	[tilespmem:$0x10180] =	vst v63  }
0xa8: {  	_ = 	snop  }
0xa9: {  	[hbm4b:s9+s4] =	stream.indirect_vreg.scatter [tilespmem:s15], [sflag:$0x1], $0x80, v8, vm0, $0xb8;
	[tilespmem:$0x10180] =	vst v63  }
0xaa: {  	_ = 	snop  }
0xab: {  	[hbm4b:s5+s4] =	stream.indirect_vreg.scatter [tilespmem:s16], [sflag:$0x1], $0x80, v7, vm0, $0xb8;
	[tilespmem:$0x10180] =	vst v63  }
0xac: {  	_ = 	snop  }
0xad: {  	[hbm4b:s8+s4] =	stream.indirect_vreg.scatter [tilespmem:s17], [sflag:$0x1], $0x80, v7, vm0, $0xb8;
	[tilespmem:$0x10180] =	vst v63  }
0xae: {  	s1 =	simm.s32 $0x8980  }
0xaf: {  	[hbm4b:s9+s4] =	stream.indirect_vreg.scatter [tilespmem:s1], [sflag:$0x1], $0x80, v7, vm0, $0xb8;
	[tilespmem:$0x10180] =	vst v63  }
0xb0: {  	v7 =	vld [tilespmem:$0xB0];
	_ =	sdelay $0x4  }
0xb1: {  	v8 =	vshrl.u32 v7, $0x3  }
0xb2: {  	v8 =	vmul.u32 $0x30, v8  }
0xb3: {  	v7 =	vand.u32 $0x7, v7  }
0xb4: {  	v7 =	vor.u32 v7, v8  }
0xb5: {  	v8 =	vperm.xlane v7, v4;
	_ =	sdelay $0x1  }
0xb6: {  	v8 =	vadd.s32 v5, v8;
	_ =	sdelay $0x3  }
0xb7: {  	v7 =	vperm.xlane v7, v6  }
0xb8: {  	[hbm4b:s5+s4] =	stream.indirect_vreg.scatter [tilespmem:s20], [sflag:$0x1], $0x80, v8, vm0, $0xb8;
	[tilespmem:$0x10180] =	vst v63  }
0xb9: {  	v7 =	vadd.s32 v5, v7  }
0xba: {  	[hbm4b:s8+s4] =	stream.indirect_vreg.scatter [tilespmem:s21], [sflag:$0x1], $0x80, v8, vm0, $0xb8;
	[tilespmem:$0x10180] =	vst v63  }
0xbb: {  	_ = 	snop  }
0xbc: {  	[hbm4b:s9+s4] =	stream.indirect_vreg.scatter [tilespmem:s22], [sflag:$0x1], $0x80, v8, vm0, $0xb8;
	[tilespmem:$0x10180] =	vst v63  }
0xbd: {  	_ = 	snop  }
0xbe: {  	[hbm4b:s5+s4] =	stream.indirect_vreg.scatter [tilespmem:s23], [sflag:$0x1], $0x80, v7, vm0, $0xb8;
	[tilespmem:$0x10180] =	vst v63  }
0xbf: {  	s0 =	simm.s32 $0xB180  }
0xc0: {  	[hbm4b:s8+s4] =	stream.indirect_vreg.scatter [tilespmem:s0], [sflag:$0x1], $0x80, v7, vm0, $0xb8;
	[tilespmem:$0x10180] =	vst v63  }
0xc1: {  	s0 =	simm.s32 $0xB980  }
0xc2: {  	[hbm4b:s9+s4] =	stream.indirect_vreg.scatter [tilespmem:s0], [sflag:$0x1], $0x80, v7, vm0, $0xb8;
	[tilespmem:$0x10180] =	vst v63  }
0xc3: {  	_ =	swait.ge [sflag:s18], $0xC000  }
0xc4: {  	[sflag:s18] =	ssyncset.done $0x0  }
0xc5: {  	[sflag:s18] =	ssyncadd.s32 $0xFFFF4000  }
0xc6: {  	v7 =	vld [tilespmem:$0x100];
	_ =	sdelay $0x4  }
0xc7: {  	v8 =	vshrl.u32 v7, $0x3  }
0xc8: {  	v8 =	vmul.u32 $0x30, v8  }
0xc9: {  	v7 =	vand.u32 $0x7, v7  }
0xca: {  	v7 =	vor.u32 v7, v8  }
0xcb: {  	v8 =	vperm.xlane v7, v4;
	_ =	sdelay $0x1  }
0xcc: {  	v8 =	vadd.s32 v5, v8;
	_ =	sdelay $0x3  }
0xcd: {  	v7 =	vperm.xlane v7, v6  }
0xce: {  	[hbm4b:s5+s4] =	stream.indirect_vreg.scatter [tilespmem:s19], [sflag:$0x1], $0x80, v8, vm0, $0xb8;
	[tilespmem:$0x10180] =	vst v63  }
0xcf: {  	v7 =	vadd.s32 v5, v7  }
0xd0: {  	[hbm4b:s8+s4] =	stream.indirect_vreg.scatter [tilespmem:s24], [sflag:$0x1], $0x80, v8, vm0, $0xb8;
	[tilespmem:$0x10180] =	vst v63  }
0xd1: {  	_ = 	snop  }
0xd2: {  	[hbm4b:s9+s4] =	stream.indirect_vreg.scatter [tilespmem:s25], [sflag:$0x1], $0x80, v8, vm0, $0xb8;
	[tilespmem:$0x10180] =	vst v63  }
0xd3: {  	_ = 	snop  }
0xd4: {  	[hbm4b:s5+s4] =	stream.indirect_vreg.scatter [tilespmem:s26], [sflag:$0x1], $0x80, v7, vm0, $0xb8;
	[tilespmem:$0x10180] =	vst v63  }
0xd5: {  	_ = 	snop  }
0xd6: {  	[hbm4b:s8+s4] =	stream.indirect_vreg.scatter [tilespmem:s28], [sflag:$0x1], $0x80, v7, vm0, $0xb8;
	[tilespmem:$0x10180] =	vst v63  }
0xd7: {  	_ = 	snop  }
0xd8: {  	[hbm4b:s9+s4] =	stream.indirect_vreg.scatter [tilespmem:s29], [sflag:$0x1], $0x80, v7, vm0, $0xb8;
	[tilespmem:$0x10180] =	vst v63  }
0xd9: {  	v7 =	vld [tilespmem:$0x110];
	_ =	sdelay $0x4  }
0xda: {  	v8 =	vshrl.u32 v7, $0x3  }
0xdb: {  	v8 =	vmul.u32 $0x30, v8  }
0xdc: {  	v7 =	vand.u32 $0x7, v7  }
0xdd: {  	v7 =	vor.u32 v7, v8  }
0xde: {  	v8 =	vperm.xlane v7, v4;
	_ =	sdelay $0x1  }
0xdf: {  	v8 =	vadd.s32 v5, v8;
	_ =	sdelay $0x3  }
0xe0: {  	v7 =	vperm.xlane v7, v6  }
0xe1: {  	[hbm4b:s5+s4] =	stream.indirect_vreg.scatter [tilespmem:s30], [sflag:$0x1], $0x80, v8, vm0, $0xb8;
	[tilespmem:$0x10180] =	vst v63  }
0xe2: {  	v7 =	vadd.s32 v5, v7  }
0xe3: {  	[hbm4b:s8+s4] =	stream.indirect_vreg.scatter [tilespmem:s31], [sflag:$0x1], $0x80, v8, vm0, $0xb8;
	[tilespmem:$0x10180] =	vst v63  }
0xe4: {  	s19 =	simm.s32 $0x4180  }
0xe5: {  	[hbm4b:s9+s4] =	stream.indirect_vreg.scatter [tilespmem:s19], [sflag:$0x1], $0x80, v8, vm0, $0xb8;
	[tilespmem:$0x10180] =	vst v63  }
0xe6: {  	_ = 	snop  }
0xe7: {  	[hbm4b:s5+s4] =	stream.indirect_vreg.scatter [tilespmem:s2], [sflag:$0x1], $0x80, v7, vm0, $0xb8;
	[tilespmem:$0x10180] =	vst v63  }
0xe8: {  	_ = 	snop  }
0xe9: {  	[hbm4b:s8+s4] =	stream.indirect_vreg.scatter [tilespmem:s3], [sflag:$0x1], $0x80, v7, vm0, $0xb8;
	[tilespmem:$0x10180] =	vst v63  }
0xea: {  	_ = 	snop  }
0xeb: {  	[hbm4b:s9+s4] =	stream.indirect_vreg.scatter [tilespmem:s11], [sflag:$0x1], $0x80, v7, vm0, $0xb8;
	[tilespmem:$0x10180] =	vst v63  }
0xec: {  	v7 =	vld [tilespmem:$0x120];
	_ =	sdelay $0x4  }
0xed: {  	v8 =	vshrl.u32 v7, $0x3  }
0xee: {  	v8 =	vmul.u32 $0x30, v8  }
0xef: {  	v7 =	vand.u32 $0x7, v7  }
0xf0: {  	v7 =	vor.u32 v7, v8  }
0xf1: {  	v8 =	vperm.xlane v7, v4;
	_ =	sdelay $0x1  }
0xf2: {  	v8 =	vadd.s32 v5, v8;
	_ =	sdelay $0x3  }
0xf3: {  	v7 =	vperm.xlane v7, v6  }
0xf4: {  	[hbm4b:s5+s4] =	stream.indirect_vreg.scatter [tilespmem:s13], [sflag:$0x1], $0x80, v8, vm0, $0xb8;
	[tilespmem:$0x10180] =	vst v63  }
0xf5: {  	v7 =	vadd.s32 v5, v7  }
0xf6: {  	[hbm4b:s8+s4] =	stream.indirect_vreg.scatter [tilespmem:s14], [sflag:$0x1], $0x80, v8, vm0, $0xb8;
	[tilespmem:$0x10180] =	vst v63  }
0xf7: {  	_ = 	snop  }
0xf8: {  	[hbm4b:s9+s4] =	stream.indirect_vreg.scatter [tilespmem:s15], [sflag:$0x1], $0x80, v8, vm0, $0xb8;
	[tilespmem:$0x10180] =	vst v63  }
0xf9: {  	_ = 	snop  }
0xfa: {  	[hbm4b:s5+s4] =	stream.indirect_vreg.scatter [tilespmem:s16], [sflag:$0x1], $0x80, v7, vm0, $0xb8;
	[tilespmem:$0x10180] =	vst v63  }
0xfb: {  	_ = 	snop  }
0xfc: {  	[hbm4b:s8+s4] =	stream.indirect_vreg.scatter [tilespmem:s17], [sflag:$0x1], $0x80, v7, vm0, $0xb8;
	[tilespmem:$0x10180] =	vst v63  }
0xfd: {  	s19 =	simm.s32 $0x8980  }
0xfe: {  	[hbm4b:s9+s4] =	stream.indirect_vreg.scatter [tilespmem:s19], [sflag:$0x1], $0x80, v7, vm0, $0xb8;
	[tilespmem:$0x10180] =	vst v63  }
0xff: {  	v7 =	vld [tilespmem:$0x130];
	_ =	sdelay $0x4  }
0x100: {  	v8 =	vshrl.u32 v7, $0x3  }
0x101: {  	v8 =	vmul.u32 $0x30, v8  }
0x102: {  	v7 =	vand.u32 $0x7, v7  }
0x103: {  	v7 =	vor.u32 v7, v8  }
0x104: {  	v8 =	vperm.xlane v7, v4;
	_ =	sdelay $0x1  }
0x105: {  	v8 =	vadd.s32 v5, v8;
	_ =	sdelay $0x3  }
0x106: {  	v7 =	vperm.xlane v7, v6  }
0x107: {  	[hbm4b:s5+s4] =	stream.indirect_vreg.scatter [tilespmem:s20], [sflag:$0x1], $0x80, v8, vm0, $0xb8;
	[tilespmem:$0x10180] =	vst v63  }
0x108: {  	v7 =	vadd.s32 v5, v7  }
0x109: {  	[hbm4b:s8+s4] =	stream.indirect_vreg.scatter [tilespmem:s21], [sflag:$0x1], $0x80, v8, vm0, $0xb8;
	[tilespmem:$0x10180] =	vst v63  }
0x10a: {  	_ = 	snop  }
0x10b: {  	[hbm4b:s9+s4] =	stream.indirect_vreg.scatter [tilespmem:s22], [sflag:$0x1], $0x80, v8, vm0, $0xb8;
	[tilespmem:$0x10180] =	vst v63  }
0x10c: {  	_ = 	snop  }
0x10d: {  	[hbm4b:s5+s4] =	stream.indirect_vreg.scatter [tilespmem:s23], [sflag:$0x1], $0x80, v7, vm0, $0xb8;
	[tilespmem:$0x10180] =	vst v63  }
0x10e: {  	s1 =	simm.s32 $0xB180  }
0x10f: {  	[hbm4b:s8+s4] =	stream.indirect_vreg.scatter [tilespmem:s1], [sflag:$0x1], $0x80, v7, vm0, $0xb8;
	[tilespmem:$0x10180] =	vst v63  }
0x110: {  	_ = 	snop  }
0x111: {  	[hbm4b:s9+s4] =	stream.indirect_vreg.scatter [tilespmem:s0], [sflag:$0x1], $0x80, v7, vm0, $0xb8;
	[tilespmem:$0x10180] =	vst v63  }
0x112: {  	_ =	swait.ge [sflag:s18], $0xC000  }
0x113: {  	[sflag:s18] =	ssyncset.done $0x0  }
0x114: {  	s2 =	simm.s32 $0xC180;
	[sflag:s18] =	ssyncadd.s32 $0xFFFF4000  }
0x115: {  	s1 =	simm.s32 $0x80;
	s0 =	simm.s32 $0x40;
	s19 =	rddreg [dreg:$0x2]  }
0x116: {  	[hbm4b:s19+s0] =	stream.indirect.scatter [tilespmem:s2], [sflag:$0x1], $0x80, s1, s0, $0xb8;
	[tilespmem:$0x10180] =	vst v63  }
0x117: {  	_ =	swait.ge [sflag:s18], $0x2000  }
0x118: {  	p0 =	sne.s32 s10, $0x1;
	s1 =	simm.s32 $0x100;
	[sflag:s18] =	ssyncset.done $0x0  }
.Ltmp0:
0x119: {  	s2 =	simm.s32 $0xE180;
	[sflag:s18] =	ssyncadd.s32 $0xFFFFE000;
	(pc) =	sbr.rel @p0 .LBB2_1-.Ltmp0, $4  }
0x11a: {  	[hbm4b:s19+s0] =	stream.indirect.scatter [tilespmem:s2], [sflag:$0x1], $0x80, s1, s0, $0xb8;
	[tilespmem:$0x10180] =	vst v63  }
0x11b: {  	_ =	swait.ge [sflag:s18], $0x2000  }
0x11c: {  	[sflag:s18] =	ssyncset.done $0x0  }
0x11d: {  	s10 =	sadd.s32 $0xFFFFFFFF, s10;
	[sflag:s18] =	ssyncadd.s32 $0xFFFFE000  }
0x11e: {  	_ =	sfence.sel $0x180000  }
0x11f: {  	[bflag:$0x0] =	sbarrier.arrive $0xFFFF  }
0x120: {  	_ =	strace $0x90000047  }
0x121: {  	s0 =	stileid.u32;
	[bflag:$0x2] =	sbarrier.arrive $0xFFFF  }
0x122: {  	p0 =	sne.s32 s0, $0x0;
	s0 =	rddreg [dreg:$0x3]  }
0x123: {  	s0 =	sadd.s32 @!p0 $0x100000, s0  }
0x124: {  	[sflag:s0] =	ssyncadd.tile.s32 @!p0 $0x1;
	_ =	shalt  }
.Lfunc_end2:
_tile_overlayer_lowered:
.L_overlay_start_2:
0x125: {  	(tag) =	ssettag $0x2  }
0x126: {  	s0 =	rddreg [dreg:$0x0];
	s2 =	stileid.u32  }
0x127: {  	s1 =	rddreg [dreg:$0x1];
	p0 =	sne.s32 s2, $0x0  }
0x128: {  	s3 =	rddreg [dreg:$0x2];
	[bflag:$0x3] =	sbarrier.arrive $0xFFFF;
	s2 =	simm.s32 @!p0 $0x1C02  }
0x129: {  	[timem:s3], [sflag:s2] =	dma.local @!p0 [hbm:s0], s1  }
0x12a: {  	s0 =	simm.s32 @!p0 $0x2  }
0x12b: {  	_ =	swait.ge @!p0 [sflag:s0], s1  }
0x12c: {  	s1 =	ssub.s32 @!p0 $0x0, s1;
	[sflag:s0] =	ssyncset.done @!p0 $0x0  }
0x12d: {  	[sflag:s0] =	ssyncadd.s32 @!p0 s1  }
0x12e: {  	[bflag:$0x3] =	sbarrier.arrive $0xFFFF  }
0x12f: {  	_ =	shalt  }

// kernel: kernel.9.cloned.1.call-start
scs
__scs_entry_jumppad:
0x0: {  	(pc) =	sbr.rel $0x88, $3  }
0x1: {  	(tag) =	ssettag $0x0;
	lr =	simm.s32 $0x1  }
0x2: {  	[smem:$0x3F99] =	sst lr;
	_ =	strace $0xD0000000  }
0x3: {  	_ = 	snop  }
0x4: {  	_ = 	snop  }
0x5: {  	_ = 	snop  }
0x6: {  	_ = 	snop  }
0x7: {  	_ = 	snop  }
__scs_overlays_trampoline_lowered:
0x8: {  	[smem:$0x3FA8] =	sst s0  }
0x9: {  	[smem:$0x3FA9] =	sst s1  }
0xa: {  	[smem:$0x3FAA] =	sst s2  }
0xb: {  	[smem:$0x3FAB] =	sst s3  }
0xc: {  	[smem:$0x3FAC] =	sst s4  }
0xd: {  	[smem:$0x3FAD] =	sst s5  }
0xe: {  	[smem:$0x3FAE] =	sst s6  }
0xf: {  	[smem:$0x3FAF] =	sst s7  }
0x10: {  	[smem:$0x3FB0] =	sst s8  }
0x11: {  	[smem:$0x3FB1] =	sst s9;
	s0 =	simm.s32 @!p0 $0x0  }
0x12: {  	s1 =	sld [smem:$0x3F97];
	s0 =	simm.s32 @p0 $0x1  }
0x13: {  	[smem:$0x3FB2] =	sst s0;
	s0 =	simm.s32 @!p1 $0x0  }
0x14: {  	s2 =	sld [smem:$0x3F96];
	s0 =	simm.s32 @p1 $0x1  }
0x15: {  	[smem:$0x3FB3] =	sst s0;
	s0 =	simm.s32 @!p2 $0x0  }
0x16: {  	s3 =	sld [smem:$0x3FDB];
	s0 =	simm.s32 @p2 $0x1  }
0x17: {  	s4 =	simm.s32 $0x1BF5;
	[smem:$0x3FB5] =	sst s0  }
0x18: {  	s0 =	sld [smem:$0x3F98];
	_ =	swait.ge [sflag:s4], $0x0  }
0x19: {  	s7 =	sld [smem:$0x3F99]  }
0x1a: {  	s8 =	sadd.s32 $0xFFFFE003, lr  }
0x1b: {  	s9 =	sadd.s32 $0xFFFFFEF7, lr;
	s5 =	simm.s32 $0xFFFFFFFF;
	p2 =	slt.u32 s8, $0xFFFFF086  }
0x1c: {  	p1 =	slt.u32 s9, $0xF7A;
	s5 =	simm.s32 @!p2 $0x0  }
0x1d: {  	s5 =	simm.s32 @p1 $0x1;
	p0 =	seq.s32 s7, s2  }
0x1e: {  	s7 =	smul.u32 @!p0 $0xF7A, s2;
	p2 =	seq.s32 @!p0 s5, $0x0  }
0x1f: {  	s9 =	smul.u32 $0xF7A, s1;
	s8 =	simm.s32 @!p0 $0x1BF5;
	p2 =	por !p2, p0  }
0x20: {  	[sflag:s8] =	ssyncset.s32 @!p0 $0xFFFFF086;
	s6 =	sadd.s32 @!p0 s3, s7;
	s7 =	simm.s32 @!p0 $0x108  }
0x21: {  	s3 =	sadd.s32 s3, s9;
	s6 =	sadd.s32 @!p0 $0x88, s6;
	s7 =	simm.s32 @p2 $0x1082  }
0x22: {  	[simem:s7], [sflag:s8] =	dma.local @!p0 [hbm:s6], $0xF7A  }
0x23: {  	s9 =	sor.u32 $0xD0000000, s2;
	s6 =	simm.s32 $0x108;
	_ =	swait.ge @!p0 [sflag:s8], $0x0  }
0x24: {  	s3 =	sadd.s32 $0x88, s3;
	s6 =	simm.s32 @!p1 $0x1082;
	[sflag:s4] =	ssyncset.s32 $0xFFFFF086  }
0x25: {  	[simem:s6], [sflag:s4] =	dma.local [hbm:s3], $0xF7A  }
0x26: {  	[smem:$0x3F99] =	sst s1;
	(tag) =	ssettag s2;
	_ =	strace s9  }
0x27: {  	s1 =	sld [smem:$0x3FA9]  }
0x28: {  	s2 =	sld [smem:$0x3FAA]  }
0x29: {  	s4 =	sld [smem:$0x3FAC]  }
0x2a: {  	p0 =	seq.s32 s5, $0x0;
	s5 =	sld [smem:$0x3FAD]  }
0x2b: {  	s6 =	sld [smem:$0x3FAE]  }
0x2c: {  	s7 =	sld [smem:$0x3FAF]  }
0x2d: {  	s3 =	simm.s32 $0x108;
	s8 =	sld [smem:$0x3FB0]  }
0x2e: {  	s3 =	simm.s32 @!p0 $0x1082;
	s9 =	sld [smem:$0x3FB1]  }
0x2f: {  	lr =	sadd.s32 s0, s3;
	s0 =	sld [smem:$0x3FA8]  }
0x30: {  	s3 =	sld [smem:$0x3FAB]  }
0x31: {  	[smem:$0x3FB4] =	sst s10  }
0x32: {  	s10 =	sld [smem:$0x3FB2];
	_ =	sdelay $0x3  }
0x33: {  	p0 =	seq.s32 s10, $0x1;
	s10 =	sld [smem:$0x3FB4];
	_ =	sdelay $0x3  }
0x34: {  	[smem:$0x3FB4] =	sst s10  }
0x35: {  	s10 =	sld [smem:$0x3FB3];
	_ =	sdelay $0x3  }
0x36: {  	p1 =	seq.s32 s10, $0x1;
	s10 =	sld [smem:$0x3FB4];
	_ =	sdelay $0x3  }
0x37: {  	[smem:$0x3FB4] =	sst s10  }
0x38: {  	s10 =	sld [smem:$0x3FB5]  }
0x39: {  	_ = 	snop;
	(pc) =	sbr.ind lr, $3  }
0x3a: {  	_ = 	snop  }
0x3b: {  	_ = 	snop  }
0x3c: {  	p2 =	seq.s32 s10, $0x1;
	s10 =	sld [smem:$0x3FB4]  }
0x3d: {  	_ =	shalt  }
0x3e: {  	_ =	shalt  }
0x3f: {  	_ =	shalt  }
0x40: {  	_ =	shalt  }
0x41: {  	_ =	shalt  }
0x42: {  	_ =	shalt  }
0x43: {  	_ =	shalt  }
0x44: {  	_ =	shalt  }
0x45: {  	_ =	shalt  }
0x46: {  	_ =	shalt  }
0x47: {  	_ =	shalt  }
0x48: {  	_ =	shalt  }
0x49: {  	_ =	shalt  }
0x4a: {  	_ =	shalt  }
0x4b: {  	_ =	shalt  }
0x4c: {  	_ =	shalt  }
0x4d: {  	_ =	shalt  }
0x4e: {  	_ =	shalt  }
0x4f: {  	_ =	shalt  }
0x50: {  	_ =	shalt  }
0x51: {  	_ =	shalt  }
0x52: {  	_ =	shalt  }
0x53: {  	_ =	shalt  }
0x54: {  	_ =	shalt  }
0x55: {  	_ =	shalt  }
0x56: {  	_ =	shalt  }
0x57: {  	_ =	shalt  }
0x58: {  	_ =	shalt  }
0x59: {  	_ =	shalt  }
0x5a: {  	_ =	shalt  }
0x5b: {  	_ =	shalt  }
0x5c: {  	_ =	shalt  }
0x5d: {  	_ =	shalt  }
0x5e: {  	_ =	shalt  }
0x5f: {  	_ =	shalt  }
0x60: {  	_ =	shalt  }
0x61: {  	_ =	shalt  }
0x62: {  	_ =	shalt  }
0x63: {  	_ =	shalt  }
0x64: {  	_ =	shalt  }
0x65: {  	_ =	shalt  }
0x66: {  	_ =	shalt  }
0x67: {  	_ =	shalt  }
0x68: {  	_ =	shalt  }
0x69: {  	_ =	shalt  }
0x6a: {  	_ =	shalt  }
0x6b: {  	_ =	shalt  }
0x6c: {  	_ =	shalt  }
0x6d: {  	_ =	shalt  }
0x6e: {  	_ =	shalt  }
0x6f: {  	_ =	shalt  }
0x70: {  	_ =	shalt  }
0x71: {  	_ =	shalt  }
0x72: {  	_ =	shalt  }
0x73: {  	_ =	shalt  }
0x74: {  	_ =	shalt  }
0x75: {  	_ =	shalt  }
0x76: {  	_ =	shalt  }
0x77: {  	_ =	shalt  }
0x78: {  	_ =	shalt  }
0x79: {  	_ =	shalt  }
0x7a: {  	_ =	shalt  }
0x7b: {  	_ =	shalt  }
0x7c: {  	_ =	shalt  }
0x7d: {  	_ =	shalt  }
0x7e: {  	_ =	shalt  }
0x7f: {  	_ =	shalt  }
0x80: {  	_ =	shalt  }
0x81: {  	_ =	shalt  }
0x82: {  	_ =	shalt  }
0x83: {  	_ =	shalt  }
0x84: {  	_ =	shalt  }
0x85: {  	_ =	shalt  }
0x86: {  	_ =	shalt  }
0x87: {  	_ =	shalt  }
.Lfunc_end0:
.L_simem_size_0:
called_computation.1_lowered:
.L_overlay_start_0:
0x88: {  	s2 =	sld [smem:$0x3FD9]  }
0x89: {  	s3 =	sld [smem:$0x3FFE];
	_ =	sdelay $0x1  }
0x8a: {  	s1 =	srdreg.scid  }
0x8b: {  	s0 =	sand.u32 $0x1, s1  }
0x8c: {  	s17 =	sshll.u32 s0, $0xA;
	s2 =	sadd.s32 s3, s2  }
0x8d: {  	s2 =	sadd.s32 s2, s17  }
0x8e: {  	[smem:$0x3FC0] =	sst s2  }
0x8f: {  	_ = 	snop  }
0x90: {  	s2 =	sld [smem:$0x3FD0];
	(tm) =	ssettm $0x1  }
0x91: {  	s18 =	sld [smem:$0x3FFB];
	_ =	sdelay $0x3  }
0x92: {  	_ =	strace s18  }
0x93: {  	s3 =	sld [smem:$0x3FFC];
	_ =	sdelay $0x3  }
0x94: {  	_ =	strace s3  }
0x95: {  	s3 =	sld [smem:$0x3FFD];
	_ =	sdelay $0x3  }
0x96: {  	_ =	strace s3  }
0x97: {  	_ =	strace $0x8FFFFFFF  }
0x98: {  	s19 =	sld [smem:$0x3FDB];
	_ =	sdelay $0x1  }
0x99: {  	s4 =	simm.s32 $_scs_section_size  }
0x9a: {  	s5 =	simm.s32 $_size__tile_overlayer_lowered;
	s6 =	simm.s32 $_tile_overlayer_lowered  }
0x9b: {  	s22 =	simm.s32 $0x1BFF;
	s21 =	sshll.u32 s6, $0x1;
	s3 =	sadd.s32 s4, s19  }
0x9c: {  	s7 =	simm.s32 $0x0;
	s20 =	sshll.u32 s5, $0x1;
	s5 =	sadd.s32 s21, s3  }
0x9d: {  	[timem:s7], [sflag:s22] =	dma.local [hbm:s5], s20  }
0x9e: {  	_ =	swait.ge [sflag:s22], s20  }
0x9f: {  	s4 =	ssub.s32 $0x0, s20;
	[sflag:s22] =	ssyncset.done $0x0  }
0xa0: {  	[sflag:s22] =	ssyncadd.s32 s4;
	_ =	sdelay $0x1  }
0xa1: {  	s23 =	simm.s32 $0x1B8B  }
0xa2: {  	_ =	swait.ge [sflag:s23], $0x1  }
0xa3: {  	[sflag:s23] =	ssyncset.done $0x0  }
0xa4: {  	s25 =	simm.s32 $0x1B8E;
	s24 =	sld [smem:$0x3FFE];
	[sflag:s23] =	ssyncadd.s32 $0xFFFFFFFF  }
0xa5: {  	s26 =	simm.s32 $execute0_lowered;
	[smem:$0x3FD2] =	sst s25  }
0xa6: {  	s5 =	sshll.u32 s26, $0x1;
	_ =	strace $0x80000049;
	[dreg:$0x1] =	wrdreg $0xFFFFFFFF  }
0xa7: {  	s28 =	simm.s32 $_size_execute0_lowered;
	s3 =	sadd.s32 s3, s5;
	[dreg:$0x0] =	wrdreg $0x0  }
0xa8: {  	s5 =	sshll.u32 s28, $0x1;
	[dreg:$0x2] =	wrdreg s3  }
0xa9: {  	[dreg:$0x3] =	wrdreg s5  }
0xaa: {  	[dreg:$0x4] =	wrdreg $0xC0  }
0xab: {  	_ =	task [dreg:s7], $0x5FFFF  }
0xac: {  	[dreg:$0x1] =	wrdreg $0xFFFFFFFF  }
0xad: {  	[dreg:$0x0] =	wrdreg $0x60  }
0xae: {  	[dreg:$0x2] =	wrdreg s24  }
0xaf: {  	[dreg:$0x3] =	wrdreg s2  }
0xb0: {  	[dreg:$0x4] =	wrdreg $0x9  }
0xb1: {  	_ =	task.clear_ibuf [dreg:s7], $0x5FFFF;
	_ =	strace $0x90000049  }
0xb2: {  	s29 =	simm.s32 $0x9;
	_ =	strace $0x8000004B  }
0xb3: {  	_ =	swait.ge [sflag:s29], $0x1  }
0xb4: {  	[sflag:s29] =	ssyncadd.s32 $0xFFFFFFFF  }
0xb5: {  	_ =	strace $0x9000004B  }
0xb6: {  	_ =	sfence  }
0xb7: {  	s30 =	sld [smem:$0x0];
	_ =	sdelay $0x2  }
0xb8: {  	s31 =	sshll.u32 s1, $0xD;
	s1 =	sshrl.u32 s1, $0x2  }
0xb9: {  	s3 =	sand.u32 $0x4000, s31;
	s1 =	sadd.s32 s1, s30  }
0xba: {  	s0 =	sor.u32 s3, s0;
	s1 =	sshll.u32 s1, $0x11  }
0xbb: {  	s0 =	sor.u32 s1, s0  }
0xbc: {  	s0 =	sadd.s32 $0x8F2B, s0  }
0xbd: {  	[sflag:s0] =	ssyncadd.remote.s32 $0x1  }
0xbe: {  	_ =	sfence.sel $0xFFFF  }
0xbf: {  	[dreg:$0x0] =	wrdreg $0xFFFFFFFF;
	(pc) =	sbr.abs _section_cstart, $3  }
0xc0: {  	[dreg:$0x1] =	wrdreg $0xFFFFFFFF  }
0xc1: {  	_ =	task.clear_ibuf [dreg:s7], $0x2FFFF;
	_ =	strace $0x9FFFFFFF  }
0xc2: {  	(tm) =	ssettm $0x7FFFFFFF  }
0xc3: {  	_ =	shalt  }
tec
execute0_lowered:
.L_overlay_start_1:
0x0: {  	(tag) =	ssettag $0x1  }
0x1: {  	s0 =	rddreg [dreg:$0x0]  }
0x2: {  	s1 =	rddreg [dreg:$0x1]  }
0x3: {  	s3 =	srdreg.scid;
	s2 =	simm.s32 $0x0;
	s4 =	stileid.u32  }
0x4: {  	s10 =	simm.s32 $0x2;
	s12 =	simm.s32 $0x100;
	s15 =	simm.s32 $0x1  }
0x5: {  	s28 =	simm.s32 $0x11900;
	s29 =	simm.s32 $0x12100;
	s30 =	simm.s32 $0x12900  }
0x6: {  	s31 =	simm.s32 $0x13100;
	s11 =	simm.s32 $0x14900;
	s13 =	simm.s32 $0x15100  }
0x7: {  	s14 =	simm.s32 $0x15900;
	s16 =	simm.s32 $0x16100;
	s17 =	simm.s32 $0x16900  }
0x8: {  	s18 =	simm.s32 $0x17100;
	s19 =	simm.s32 $0x17900;
	s20 =	simm.s32 $0x0  }
0x9: {  	s3 =	sand.u32 $0x1, s3;
	[smem:$0x7FF] =	sst s2;
	s4 =	sshll.u32 s4, $0x4  }
0xa: {  	s5 =	sshll.u32 s3, $0x3;
	_ =	strace $0x8000004A;
	s26 =	ssub.s32 $0x2, s3  }
0xb: {  	s3 =	sadd.s32 $0xD1200, s0;
	s5 =	sor.u32 s5, s4;
	s7 =	sshrl.u32 s26, $0x1  }
0xc: {  	s6 =	sadd.s32 s5, s0;
	s9 =	ssub.s32 s26, s7;
	s8 =	smul.u32 $0x300, s5  }
0xd: {  	v2 =	vlaneseq.u32;
	s7 =	sadd.s32 $0xD1400, s0;
	s26 =	simm.s32 $0x11100;
	s4 =	sadd.s32 $0x10E00, s6  }
0xe: {  	vm0 =	vmmov $0xffff;
	v1 =	vshrl.u32 v2, $0x3;
	s5 =	sadd.s32 $0x11000, s6;
	s6 =	sadd.s32 $0xD1300, s0;
	s9 =	smax.u32 s9, $0x1  }
0xf: {  	v0 =	vand.u32 $0x7, v2;
	v2 =	vor.u32 $0x8, v2;
	v1 =	vmul.u32 $0x8, v1;
	s0 =	simm.s32 $0x13900;
	s8 =	sadd.s32 s1, s8;
	s1 =	simm.s32 $0x14100  }
.LBB2_1:
0x10: {  	[tilespmem:s2], [sflag:$0x2] =	stream.linear.gather [hbm4b:s4+s2], $0x40, $0x38;
	[tilespmem:$0x18100] =	vst v63  }
0x11: {  	_ =	swait.ge [sflag:s10], $0x40  }
0x12: {  	[sflag:s10] =	ssyncset.done $0x0  }
0x13: {  	s21 =	simm.s32 $0x80;
	[sflag:s10] =	ssyncadd.s32 $0xFFFFFFC0  }
0x14: {  	[tilespmem:s21], [sflag:$0x2] =	stream.linear.gather [hbm4b:s5+s2], $0x40, $0x38;
	[tilespmem:$0x18100] =	vst v63  }
0x15: {  	_ =	swait.ge [sflag:s10], $0x40  }
0x16: {  	[sflag:s10] =	ssyncset.done $0x0  }
0x17: {  	[sflag:s10] =	ssyncadd.s32 $0xFFFFFFC0  }
0x18: {  	v3 =	vld [tilespmem:$0x0];
	_ =	sdelay $0x4  }
0x19: {  	v4 =	vshrl.u32 v3, $0x3  }
0x1a: {  	v4 =	vmul.u32 $0x30, v4  }
0x1b: {  	v3 =	vand.u32 $0x7, v3  }
0x1c: {  	v3 =	vor.u32 v3, v4  }
0x1d: {  	v4 =	vperm.xlane v3, v0;
	_ =	sdelay $0x1  }
0x1e: {  	v4 =	vadd.s32 v1, v4;
	_ =	sdelay $0x3  }
0x1f: {  	v3 =	vperm.xlane v3, v2  }
0x20: {  	[tilespmem:s12], [sflag:$0x1] =	stream.indirect_vreg.gather [hbm4b:s3+s2], $0x80, v4, vm0, $0xb8;
	[tilespmem:$0x18100] =	vst v63  }
0x21: {  	s24 =	simm.s32 $0x900;
	v3 =	vadd.s32 v1, v3  }
0x22: {  	[tilespmem:s24], [sflag:$0x1] =	stream.indirect_vreg.gather [hbm4b:s6+s2], $0x80, v4, vm0, $0xb8;
	[tilespmem:$0x18100] =	vst v63  }
0x23: {  	s25 =	simm.s32 $0x1100  }
0x24: {  	[tilespmem:s25], [sflag:$0x1] =	stream.indirect_vreg.gather [hbm4b:s7+s2], $0x80, v4, vm0, $0xb8;
	[tilespmem:$0x18100] =	vst v63  }
0x25: {  	s22 =	simm.s32 $0x1900  }
0x26: {  	[tilespmem:s22], [sflag:$0x1] =	stream.indirect_vreg.gather [hbm4b:s3+s2], $0x80, v3, vm0, $0xb8;
	[tilespmem:$0x18100] =	vst v63  }
0x27: {  	s23 =	simm.s32 $0x2100  }
0x28: {  	[tilespmem:s23], [sflag:$0x1] =	stream.indirect_vreg.gather [hbm4b:s6+s2], $0x80, v3, vm0, $0xb8;
	[tilespmem:$0x18100] =	vst v63  }
0x29: {  	s24 =	simm.s32 $0x2900  }
0x2a: {  	[tilespmem:s24], [sflag:$0x1] =	stream.indirect_vreg.gather [hbm4b:s7+s2], $0x80, v3, vm0, $0xb8;
	[tilespmem:$0x18100] =	vst v63  }
0x2b: {  	v3 =	vld [tilespmem:$0x10];
	_ =	sdelay $0x4  }
0x2c: {  	v4 =	vshrl.u32 v3, $0x3  }
0x2d: {  	v4 =	vmul.u32 $0x30, v4  }
0x2e: {  	v3 =	vand.u32 $0x7, v3  }
0x2f: {  	v3 =	vor.u32 v3, v4  }
0x30: {  	v4 =	vperm.xlane v3, v0;
	_ =	sdelay $0x1  }
0x31: {  	v4 =	vadd.s32 v1, v4;
	_ =	sdelay $0x3  }
0x32: {  	s25 =	simm.s32 $0x3100;
	v3 =	vperm.xlane v3, v2  }
0x33: {  	[tilespmem:s25], [sflag:$0x1] =	stream.indirect_vreg.gather [hbm4b:s3+s2], $0x80, v4, vm0, $0xb8;
	[tilespmem:$0x18100] =	vst v63  }
0x34: {  	s22 =	simm.s32 $0x3900;
	v3 =	vadd.s32 v1, v3  }
0x35: {  	[tilespmem:s22], [sflag:$0x1] =	stream.indirect_vreg.gather [hbm4b:s6+s2], $0x80, v4, vm0, $0xb8;
	[tilespmem:$0x18100] =	vst v63  }
0x36: {  	s23 =	simm.s32 $0x4100  }
0x37: {  	[tilespmem:s23], [sflag:$0x1] =	stream.indirect_vreg.gather [hbm4b:s7+s2], $0x80, v4, vm0, $0xb8;
	[tilespmem:$0x18100] =	vst v63  }
0x38: {  	s24 =	simm.s32 $0x4900  }
0x39: {  	[tilespmem:s24], [sflag:$0x1] =	stream.indirect_vreg.gather [hbm4b:s3+s2], $0x80, v3, vm0, $0xb8;
	[tilespmem:$0x18100] =	vst v63  }
0x3a: {  	s25 =	simm.s32 $0x5100  }
0x3b: {  	[tilespmem:s25], [sflag:$0x1] =	stream.indirect_vreg.gather [hbm4b:s6+s2], $0x80, v3, vm0, $0xb8;
	[tilespmem:$0x18100] =	vst v63  }
0x3c: {  	s22 =	simm.s32 $0x5900  }
0x3d: {  	[tilespmem:s22], [sflag:$0x1] =	stream.indirect_vreg.gather [hbm4b:s7+s2], $0x80, v3, vm0, $0xb8;
	[tilespmem:$0x18100] =	vst v63  }
0x3e: {  	v3 =	vld [tilespmem:$0x20];
	_ =	sdelay $0x4  }
0x3f: {  	v4 =	vshrl.u32 v3, $0x3  }
0x40: {  	v4 =	vmul.u32 $0x30, v4  }
0x41: {  	v3 =	vand.u32 $0x7, v3  }
0x42: {  	v3 =	vor.u32 v3, v4  }
0x43: {  	v4 =	vperm.xlane v3, v0;
	_ =	sdelay $0x1  }
0x44: {  	v4 =	vadd.s32 v1, v4;
	_ =	sdelay $0x3  }
0x45: {  	s23 =	simm.s32 $0x6100;
	v3 =	vperm.xlane v3, v2  }
0x46: {  	[tilespmem:s23], [sflag:$0x1] =	stream.indirect_vreg.gather [hbm4b:s3+s2], $0x80, v4, vm0, $0xb8;
	[tilespmem:$0x18100] =	vst v63  }
0x47: {  	s24 =	simm.s32 $0x6900;
	v3 =	vadd.s32 v1, v3  }
0x48: {  	[tilespmem:s24], [sflag:$0x1] =	stream.indirect_vreg.gather [hbm4b:s6+s2], $0x80, v4, vm0, $0xb8;
	[tilespmem:$0x18100] =	vst v63  }
0x49: {  	s25 =	simm.s32 $0x7100  }
0x4a: {  	[tilespmem:s25], [sflag:$0x1] =	stream.indirect_vreg.gather [hbm4b:s7+s2], $0x80, v4, vm0, $0xb8;
	[tilespmem:$0x18100] =	vst v63  }
0x4b: {  	s22 =	simm.s32 $0x7900  }
0x4c: {  	[tilespmem:s22], [sflag:$0x1] =	stream.indirect_vreg.gather [hbm4b:s3+s2], $0x80, v3, vm0, $0xb8;
	[tilespmem:$0x18100] =	vst v63  }
0x4d: {  	s23 =	simm.s32 $0x8100  }
0x4e: {  	[tilespmem:s23], [sflag:$0x1] =	stream.indirect_vreg.gather [hbm4b:s6+s2], $0x80, v3, vm0, $0xb8;
	[tilespmem:$0x18100] =	vst v63  }
0x4f: {  	s24 =	simm.s32 $0x8900  }
0x50: {  	[tilespmem:s24], [sflag:$0x1] =	stream.indirect_vreg.gather [hbm4b:s7+s2], $0x80, v3, vm0, $0xb8;
	[tilespmem:$0x18100] =	vst v63  }
0x51: {  	v3 =	vld [tilespmem:$0x30];
	_ =	sdelay $0x4  }
0x52: {  	v4 =	vshrl.u32 v3, $0x3  }
0x53: {  	v4 =	vmul.u32 $0x30, v4  }
0x54: {  	v3 =	vand.u32 $0x7, v3  }
0x55: {  	v3 =	vor.u32 v3, v4  }
0x56: {  	v4 =	vperm.xlane v3, v0;
	_ =	sdelay $0x1  }
0x57: {  	v4 =	vadd.s32 v1, v4;
	_ =	sdelay $0x3  }
0x58: {  	s25 =	simm.s32 $0x9100;
	v3 =	vperm.xlane v3, v2  }
0x59: {  	[tilespmem:s25], [sflag:$0x1] =	stream.indirect_vreg.gather [hbm4b:s3+s2], $0x80, v4, vm0, $0xb8;
	[tilespmem:$0x18100] =	vst v63  }
0x5a: {  	s22 =	simm.s32 $0x9900;
	v3 =	vadd.s32 v1, v3  }
0x5b: {  	[tilespmem:s22], [sflag:$0x1] =	stream.indirect_vreg.gather [hbm4b:s6+s2], $0x80, v4, vm0, $0xb8;
	[tilespmem:$0x18100] =	vst v63  }
0x5c: {  	s23 =	simm.s32 $0xA100  }
0x5d: {  	[tilespmem:s23], [sflag:$0x1] =	stream.indirect_vreg.gather [hbm4b:s7+s2], $0x80, v4, vm0, $0xb8;
	[tilespmem:$0x18100] =	vst v63  }
0x5e: {  	s24 =	simm.s32 $0xA900  }
0x5f: {  	[tilespmem:s24], [sflag:$0x1] =	stream.indirect_vreg.gather [hbm4b:s3+s2], $0x80, v3, vm0, $0xb8;
	[tilespmem:$0x18100] =	vst v63  }
0x60: {  	s25 =	simm.s32 $0xB100  }
0x61: {  	[tilespmem:s25], [sflag:$0x1] =	stream.indirect_vreg.gather [hbm4b:s6+s2], $0x80, v3, vm0, $0xb8;
	[tilespmem:$0x18100] =	vst v63  }
0x62: {  	s22 =	simm.s32 $0xB900  }
0x63: {  	[tilespmem:s22], [sflag:$0x1] =	stream.indirect_vreg.gather [hbm4b:s7+s2], $0x80, v3, vm0, $0xb8;
	[tilespmem:$0x18100] =	vst v63  }
0x64: {  	_ =	swait.ge [sflag:s15], $0xC000  }
0x65: {  	[sflag:s15] =	ssyncset.done $0x0  }
0x66: {  	[sflag:s15] =	ssyncadd.s32 $0xFFFF4000  }
0x67: {  	v3 =	vld [tilespmem:$0x80];
	_ =	sdelay $0x4  }
0x68: {  	v4 =	vshrl.u32 v3, $0x3  }
0x69: {  	v4 =	vmul.u32 $0x30, v4  }
0x6a: {  	v3 =	vand.u32 $0x7, v3  }
0x6b: {  	v3 =	vor.u32 v3, v4  }
0x6c: {  	v4 =	vperm.xlane v3, v0;
	_ =	sdelay $0x1  }
0x6d: {  	v4 =	vadd.s32 v1, v4;
	_ =	sdelay $0x3  }
0x6e: {  	s23 =	simm.s32 $0xC100;
	v3 =	vperm.xlane v3, v2  }
0x6f: {  	[tilespmem:s23], [sflag:$0x1] =	stream.indirect_vreg.gather [hbm4b:s3+s2], $0x80, v4, vm0, $0xb8;
	[tilespmem:$0x18100] =	vst v63  }
0x70: {  	s24 =	simm.s32 $0xC900;
	v3 =	vadd.s32 v1, v3  }
0x71: {  	[tilespmem:s24], [sflag:$0x1] =	stream.indirect_vreg.gather [hbm4b:s6+s2], $0x80, v4, vm0, $0xb8;
	[tilespmem:$0x18100] =	vst v63  }
0x72: {  	s25 =	simm.s32 $0xD100  }
0x73: {  	[tilespmem:s25], [sflag:$0x1] =	stream.indirect_vreg.gather [hbm4b:s7+s2], $0x80, v4, vm0, $0xb8;
	[tilespmem:$0x18100] =	vst v63  }
0x74: {  	s22 =	simm.s32 $0xD900  }
0x75: {  	[tilespmem:s22], [sflag:$0x1] =	stream.indirect_vreg.gather [hbm4b:s3+s2], $0x80, v3, vm0, $0xb8;
	[tilespmem:$0x18100] =	vst v63  }
0x76: {  	s23 =	simm.s32 $0xE100  }
0x77: {  	[tilespmem:s23], [sflag:$0x1] =	stream.indirect_vreg.gather [hbm4b:s6+s2], $0x80, v3, vm0, $0xb8;
	[tilespmem:$0x18100] =	vst v63  }
0x78: {  	s24 =	simm.s32 $0xE900  }
0x79: {  	[tilespmem:s24], [sflag:$0x1] =	stream.indirect_vreg.gather [hbm4b:s7+s2], $0x80, v3, vm0, $0xb8;
	[tilespmem:$0x18100] =	vst v63  }
0x7a: {  	v3 =	vld [tilespmem:$0x90];
	_ =	sdelay $0x4  }
0x7b: {  	v4 =	vshrl.u32 v3, $0x3  }
0x7c: {  	v4 =	vmul.u32 $0x30, v4  }
0x7d: {  	v3 =	vand.u32 $0x7, v3  }
0x7e: {  	v3 =	vor.u32 v3, v4  }
0x7f: {  	v4 =	vperm.xlane v3, v0;
	_ =	sdelay $0x1  }
0x80: {  	v4 =	vadd.s32 v1, v4;
	_ =	sdelay $0x3  }
0x81: {  	s25 =	simm.s32 $0xF100;
	v3 =	vperm.xlane v3, v2  }
0x82: {  	[tilespmem:s25], [sflag:$0x1] =	stream.indirect_vreg.gather [hbm4b:s3+s2], $0x80, v4, vm0, $0xb8;
	[tilespmem:$0x18100] =	vst v63  }
0x83: {  	s22 =	simm.s32 $0xF900;
	v3 =	vadd.s32 v1, v3  }
0x84: {  	[tilespmem:s22], [sflag:$0x1] =	stream.indirect_vreg.gather [hbm4b:s6+s2], $0x80, v4, vm0, $0xb8;
	[tilespmem:$0x18100] =	vst v63  }
0x85: {  	s23 =	simm.s32 $0x10100  }
0x86: {  	[tilespmem:s23], [sflag:$0x1] =	stream.indirect_vreg.gather [hbm4b:s7+s2], $0x80, v4, vm0, $0xb8;
	[tilespmem:$0x18100] =	vst v63  }
0x87: {  	s24 =	simm.s32 $0x10900  }
0x88: {  	[tilespmem:s24], [sflag:$0x1] =	stream.indirect_vreg.gather [hbm4b:s3+s2], $0x80, v3, vm0, $0xb8;
	[tilespmem:$0x18100] =	vst v63  }
0x89: {  	_ = 	snop  }
0x8a: {  	[tilespmem:s26], [sflag:$0x1] =	stream.indirect_vreg.gather [hbm4b:s6+s2], $0x80, v3, vm0, $0xb8;
	[tilespmem:$0x18100] =	vst v63  }
0x8b: {  	_ = 	snop  }
0x8c: {  	[tilespmem:s28], [sflag:$0x1] =	stream.indirect_vreg.gather [hbm4b:s7+s2], $0x80, v3, vm0, $0xb8;
	[tilespmem:$0x18100] =	vst v63  }
0x8d: {  	v3 =	vld [tilespmem:$0xA0];
	_ =	sdelay $0x4  }
0x8e: {  	v4 =	vshrl.u32 v3, $0x3  }
0x8f: {  	v4 =	vmul.u32 $0x30, v4  }
0x90: {  	v3 =	vand.u32 $0x7, v3  }
0x91: {  	v3 =	vor.u32 v3, v4  }
0x92: {  	v4 =	vperm.xlane v3, v0;
	_ =	sdelay $0x1  }
0x93: {  	v4 =	vadd.s32 v1, v4;
	_ =	sdelay $0x3  }
0x94: {  	v3 =	vperm.xlane v3, v2  }
0x95: {  	[tilespmem:s29], [sflag:$0x1] =	stream.indirect_vreg.gather [hbm4b:s3+s2], $0x80, v4, vm0, $0xb8;
	[tilespmem:$0x18100] =	vst v63  }
0x96: {  	v3 =	vadd.s32 v1, v3  }
0x97: {  	[tilespmem:s30], [sflag:$0x1] =	stream.indirect_vreg.gather [hbm4b:s6+s2], $0x80, v4, vm0, $0xb8;
	[tilespmem:$0x18100] =	vst v63  }
0x98: {  	_ = 	snop  }
0x99: {  	[tilespmem:s31], [sflag:$0x1] =	stream.indirect_vreg.gather [hbm4b:s7+s2], $0x80, v4, vm0, $0xb8;
	[tilespmem:$0x18100] =	vst v63  }
0x9a: {  	_ = 	snop  }
0x9b: {  	[tilespmem:s0], [sflag:$0x1] =	stream.indirect_vreg.gather [hbm4b:s3+s2], $0x80, v3, vm0, $0xb8;
	[tilespmem:$0x18100] =	vst v63  }
0x9c: {  	_ = 	snop  }
0x9d: {  	[tilespmem:s1], [sflag:$0x1] =	stream.indirect_vreg.gather [hbm4b:s6+s2], $0x80, v3, vm0, $0xb8;
	[tilespmem:$0x18100] =	vst v63  }
0x9e: {  	_ = 	snop  }
0x9f: {  	[tilespmem:s11], [sflag:$0x1] =	stream.indirect_vreg.gather [hbm4b:s7+s2], $0x80, v3, vm0, $0xb8;
	[tilespmem:$0x18100] =	vst v63  }
0xa0: {  	v3 =	vld [tilespmem:$0xB0];
	_ =	sdelay $0x4  }
0xa1: {  	v4 =	vshrl.u32 v3, $0x3  }
0xa2: {  	v4 =	vmul.u32 $0x30, v4  }
0xa3: {  	v3 =	vand.u32 $0x7, v3  }
0xa4: {  	v3 =	vor.u32 v3, v4  }
0xa5: {  	v4 =	vperm.xlane v3, v0;
	_ =	sdelay $0x1  }
0xa6: {  	v4 =	vadd.s32 v1, v4;
	_ =	sdelay $0x3  }
0xa7: {  	v3 =	vperm.xlane v3, v2  }
0xa8: {  	[tilespmem:s13], [sflag:$0x1] =	stream.indirect_vreg.gather [hbm4b:s3+s2], $0x80, v4, vm0, $0xb8;
	[tilespmem:$0x18100] =	vst v63  }
0xa9: {  	v3 =	vadd.s32 v1, v3  }
0xaa: {  	[tilespmem:s14], [sflag:$0x1] =	stream.indirect_vreg.gather [hbm4b:s6+s2], $0x80, v4, vm0, $0xb8;
	[tilespmem:$0x18100] =	vst v63  }
0xab: {  	_ = 	snop  }
0xac: {  	[tilespmem:s16], [sflag:$0x1] =	stream.indirect_vreg.gather [hbm4b:s7+s2], $0x80, v4, vm0, $0xb8;
	[tilespmem:$0x18100] =	vst v63  }
0xad: {  	_ = 	snop  }
0xae: {  	[tilespmem:s17], [sflag:$0x1] =	stream.indirect_vreg.gather [hbm4b:s3+s2], $0x80, v3, vm0, $0xb8;
	[tilespmem:$0x18100] =	vst v63  }
0xaf: {  	_ = 	snop  }
0xb0: {  	[tilespmem:s18], [sflag:$0x1] =	stream.indirect_vreg.gather [hbm4b:s6+s2], $0x80, v3, vm0, $0xb8;
	[tilespmem:$0x18100] =	vst v63  }
0xb1: {  	s25 =	simm.s32 $0x0  }
0xb2: {  	[tilespmem:s19], [sflag:$0x1] =	stream.indirect_vreg.gather [hbm4b:s7+s2], $0x80, v3, vm0, $0xb8;
	[tilespmem:$0x18100] =	vst v63  }
0xb3: {  	s21 =	smul.u32 $0x1800, s25;
	_ =	swait.ge [sflag:s15], $0xC000  }
0xb4: {  	s22 =	sand.u32 $0x380, s2;
	[sflag:s15] =	ssyncset.done $0x0  }
0xb5: {  	s21 =	sor.u32 s22, s21;
	[sflag:s15] =	ssyncadd.s32 $0xFFFF4000  }
0xb6: {  	v12 =	vld [tilespmem:s21+$0xC100]  }
0xb7: {  	v13 =	vld [tilespmem:s21+$0xC110]  }
0xb8: {  	v14 =	vld [tilespmem:s21+$0xC120]  }
0xb9: {  	v15 =	vld [tilespmem:s21+$0xC130]  }
0xba: {  	v16 =	vld [tilespmem:s21+$0xC140]  }
0xbb: {  	v17 =	vld [tilespmem:s21+$0xC150]  }
0xbc: {  	v18 =	vld [tilespmem:s21+$0xC160]  }
0xbd: {  	v19 =	vld [tilespmem:s21+$0xC170]  }
0xbe: {  	v20 =	vld [tilespmem:s21+$0xC500]  }
0xbf: {  	v21 =	vld [tilespmem:s21+$0xC510]  }
0xc0: {  	v22 =	vld [tilespmem:s21+$0xC520]  }
0xc1: {  	v23 =	vld [tilespmem:s21+$0xC530]  }
0xc2: {  	v24 =	vld [tilespmem:s21+$0xC540]  }
0xc3: {  	v25 =	vld [tilespmem:s21+$0xC550]  }
0xc4: {  	v26 =	vld [tilespmem:s21+$0xC560]  }
0xc5: {  	v27 =	vld [tilespmem:s21+$0xC570]  }
0xc6: {  	v28 =	vld [tilespmem:s21+$0xC900]  }
0xc7: {  	v29 =	vld [tilespmem:s21+$0xC910]  }
0xc8: {  	v30 =	vld [tilespmem:s21+$0xC920]  }
0xc9: {  	v31 =	vld [tilespmem:s21+$0xC930]  }
0xca: {  	v32 =	vld [tilespmem:s21+$0xC940]  }
0xcb: {  	v33 =	vld [tilespmem:s21+$0xC950]  }
0xcc: {  	v34 =	vld [tilespmem:s21+$0xC960]  }
0xcd: {  	v35 =	vld [tilespmem:s21+$0xC970]  }
0xce: {  	v36 =	vld [tilespmem:s21+$0xCD00]  }
0xcf: {  	v37 =	vld [tilespmem:s21+$0xCD10]  }
0xd0: {  	v38 =	vld [tilespmem:s21+$0xCD20]  }
0xd1: {  	v39 =	vld [tilespmem:s21+$0xCD30]  }
0xd2: {  	v40 =	vld [tilespmem:s21+$0xCD40]  }
0xd3: {  	v41 =	vld [tilespmem:s21+$0xCD50]  }
0xd4: {  	v42 =	vld [tilespmem:s21+$0xCD60]  }
0xd5: {  	v43 =	vld [tilespmem:s21+$0xCD70]  }
0xd6: {  	v44 =	vld [tilespmem:s21+$0xD100]  }
0xd7: {  	v45 =	vld [tilespmem:s21+$0xD110]  }
0xd8: {  	v46 =	vld [tilespmem:s21+$0xD120]  }
0xd9: {  	v47 =	vld [tilespmem:s21+$0xD130]  }
0xda: {  	v48 =	vld [tilespmem:s21+$0xD140]  }
0xdb: {  	v49 =	vld [tilespmem:s21+$0xD150]  }
0xdc: {  	v50 =	vld [tilespmem:s21+$0xD160]  }
0xdd: {  	v11 =	vld [tilespmem:s21+$0xD170]  }
0xde: {  	v10 =	vld [tilespmem:s21+$0xD500]  }
0xdf: {  	v9 =	vld [tilespmem:s21+$0xD510]  }
0xe0: {  	v8 =	vld [tilespmem:s21+$0xD520]  }
0xe1: {  	v7 =	vld [tilespmem:s21+$0xD530]  }
0xe2: {  	v6 =	vld [tilespmem:s21+$0xD540]  }
0xe3: {  	v51 =	vld [tilespmem:s21+$0x100]  }
0xe4: {  	v52 =	vld [tilespmem:s21+$0x110]  }
0xe5: {  	v53 =	vld [tilespmem:s21+$0x120]  }
0xe6: {  	v54 =	vld [tilespmem:s21+$0x130]  }
0xe7: {  	v55 =	vld [tilespmem:s21+$0x140]  }
0xe8: {  	v62 =	vld [tilespmem:s21+$0x150];
	v12 =	vadd.f32 v12, v51  }
0xe9: {  	v63 =	vld [tilespmem:s21+$0x160];
	v13 =	vadd.f32 v13, v52  }
0xea: {  	[tilespmem:s21+$0x100] =	vst v12;
	v12 =	vadd.f32 v14, v53;
	v14 =	vld [tilespmem:s21+$0x170]  }
0xeb: {  	[tilespmem:s21+$0x110] =	vst v13;
	v13 =	vadd.f32 v15, v54;
	v15 =	vld [tilespmem:s21+$0x500]  }
0xec: {  	[tilespmem:s21+$0x120] =	vst v12;
	v12 =	vadd.f32 v16, v55;
	v16 =	vld [tilespmem:s21+$0x510]  }
0xed: {  	[tilespmem:s21+$0x130] =	vst v13;
	v13 =	vadd.f32 v17, v62;
	v17 =	vld [tilespmem:s21+$0x520]  }
0xee: {  	v5 =	vld [tilespmem:s21+$0xD550]  }
0xef: {  	[tilespmem:s21+$0x140] =	vst v12;
	v12 =	vadd.f32 v18, v63;
	v18 =	vld [tilespmem:s21+$0x570]  }
0xf0: {  	[tilespmem:s21+$0x150] =	vst v13;
	v13 =	vadd.f32 v19, v14;
	v14 =	vld [tilespmem:s21+$0x530]  }
0xf1: {  	[tilespmem:s21+$0x160] =	vst v12;
	v12 =	vadd.f32 v20, v15;
	v15 =	vld [tilespmem:s21+$0x540]  }
0xf2: {  	[tilespmem:s21+$0x170] =	vst v13;
	v13 =	vadd.f32 v21, v16;
	v16 =	vadd.f32 v22, v17;
	v17 =	vld [tilespmem:s21+$0x560]  }
0xf3: {  	[tilespmem:s21+$0x500] =	vst v12;
	v12 =	vld [tilespmem:s21+$0x550]  }
0xf4: {  	[tilespmem:s21+$0x510] =	vst v13;
	v13 =	vld [tilespmem:s21+$0x900];
	v18 =	vadd.f32 v27, v18  }
0xf5: {  	[tilespmem:s21+$0x520] =	vst v16;
	v16 =	vld [tilespmem:s21+$0x910];
	v14 =	vadd.f32 v23, v14  }
0xf6: {  	v4 =	vld [tilespmem:s21+$0xD560];
	v15 =	vadd.f32 v24, v15;
	[tilespmem:s21+$0x570] =	vst v18  }
0xf7: {  	[tilespmem:s21+$0x530] =	vst v14;
	v14 =	vld [tilespmem:s21+$0x920];
	v17 =	vadd.f32 v26, v17  }
0xf8: {  	v12 =	vadd.f32 v25, v12;
	[tilespmem:s21+$0x540] =	vst v15;
	v15 =	vld [tilespmem:s21+$0x930]  }
0xf9: {  	v18 =	vld [tilespmem:s21+$0x970];
	[tilespmem:s21+$0x560] =	vst v17;
	v13 =	vadd.f32 v28, v13  }
0xfa: {  	v16 =	vadd.f32 v29, v16;
	[tilespmem:s21+$0x550] =	vst v12;
	v12 =	vld [tilespmem:s21+$0x940]  }
0xfb: {  	v17 =	vld [tilespmem:s21+$0x950];
	[tilespmem:s21+$0x900] =	vst v13  }
0xfc: {  	[tilespmem:s21+$0x910] =	vst v16;
	v16 =	vld [tilespmem:s21+$0x960];
	v13 =	vadd.f32 v30, v14  }
0xfd: {  	v14 =	vld [tilespmem:s21+$0xD00];
	v15 =	vadd.f32 v31, v15  }
0xfe: {  	[tilespmem:s21+$0x920] =	vst v13;
	v13 =	vld [tilespmem:s21+$0xD10]  }
0xff: {  	v12 =	vadd.f32 v32, v12;
	[tilespmem:s21+$0x930] =	vst v15;
	v15 =	vld [tilespmem:s21+$0xD20]  }
0x100: {  	v3 =	vld [tilespmem:s21+$0xD570];
	v17 =	vadd.f32 v33, v17  }
0x101: {  	v16 =	vadd.f32 v34, v16;
	[tilespmem:s21+$0x940] =	vst v12;
	v12 =	vld [tilespmem:s21+$0xD30]  }
0x102: {  	[tilespmem:s21+$0x950] =	vst v17;
	v17 =	vld [tilespmem:s21+$0xD40];
	v14 =	vadd.f32 v36, v14  }
0x103: {  	v18 =	vadd.f32 v35, v18;
	[tilespmem:s21+$0x960] =	vst v16;
	v16 =	vld [tilespmem:s21+$0xD50]  }
0x104: {  	v13 =	vadd.f32 v37, v13;
	[tilespmem:s21+$0xD00] =	vst v14;
	v14 =	vadd.f32 v38, v15;
	v15 =	vld [tilespmem:s21+$0xD60]  }
0x105: {  	[tilespmem:s21+$0x970] =	vst v18;
	v18 =	vld [tilespmem:s21+$0xD70]  }
0x106: {  	[tilespmem:s21+$0xD10] =	vst v13;
	v13 =	vld [tilespmem:s21+$0x1100];
	v12 =	vadd.f32 v39, v12  }
0x107: {  	v17 =	vadd.f32 v40, v17;
	[tilespmem:s21+$0xD20] =	vst v14;
	v14 =	vld [tilespmem:s21+$0x1110]  }
0x108: {  	v16 =	vadd.f32 v41, v16;
	[tilespmem:s21+$0xD30] =	vst v12;
	v12 =	vld [tilespmem:s21+$0x1120]  }
0x109: {  	[tilespmem:s21+$0xD40] =	vst v17;
	v17 =	vld [tilespmem:s21+$0x1130];
	v15 =	vadd.f32 v42, v15  }
0x10a: {  	v19 =	vld [tilespmem:s21+$0x1140];
	[tilespmem:s21+$0xD50] =	vst v16;
	v16 =	vadd.f32 v43, v18  }
0x10b: {  	v18 =	vld [tilespmem:s21+$0x1150];
	v13 =	vadd.f32 v44, v13;
	[tilespmem:s21+$0xD60] =	vst v15  }
0x10c: {  	v20 =	vld [tilespmem:s21+$0x1160];
	[tilespmem:s21+$0xD70] =	vst v16;
	v14 =	vadd.f32 v45, v14  }
0x10d: {  	v16 =	vld [tilespmem:s21+$0x1170];
	[tilespmem:s21+$0x1100] =	vst v13;
	v12 =	vadd.f32 v46, v12  }
0x10e: {  	v15 =	vld [tilespmem:s21+$0x1500];
	v13 =	vadd.f32 v47, v17;
	[tilespmem:s21+$0x1110] =	vst v14  }
0x10f: {  	v14 =	vld [tilespmem:s21+$0x1510];
	[tilespmem:s21+$0x1120] =	vst v12;
	v12 =	vadd.f32 v48, v19  }
0x110: {  	[tilespmem:s21+$0x1130] =	vst v13;
	v13 =	vld [tilespmem:s21+$0x1520];
	v18 =	vadd.f32 v49, v18  }
0x111: {  	s22 =	simm.s32 $0x1;
	s23 =	simm.s32 $0x0;
	v17 =	vadd.f32 v50, v20;
	[tilespmem:s21+$0x1140] =	vst v12;
	v12 =	vld [tilespmem:s21+$0x1530]  }
.LBB2_2:
0x112: {  	s24 =	sshrl.u32 s22, $0x3;
	p0 =	sne.s32 s22, $0x3F;
	[tilespmem:s21+$0x1150] =	vst v18;
	v11 =	vadd.f32 v11, v16;
	v16 =	vld [tilespmem:s21+$0x1540]  }
0x113: {  	s23 =	sadd.s32 $0x80, s23;
	s24 =	smul.u32 $0x1800, s24;
	[tilespmem:s21+$0x1160] =	vst v17;
	v10 =	vadd.f32 v10, v15;
	v15 =	vld [tilespmem:s21+$0x1550]  }
0x114: {  	s25 =	sand.u32 $0x380, s23;
	[tilespmem:s21+$0x1170] =	vst v11;
	v9 =	vadd.f32 v9, v14;
	v11 =	vld [tilespmem:s21+$0x1560]  }
0x115: {  	s24 =	sor.u32 s25, s24;
	[tilespmem:s21+$0x1500] =	vst v10;
	v8 =	vadd.f32 v8, v13;
	v10 =	vld [tilespmem:s21+$0x1570]  }
0x116: {  	v39 =	vld [tilespmem:s24+$0xC100];
	[tilespmem:s21+$0x1510] =	vst v9;
	v7 =	vadd.f32 v7, v12  }
0x117: {  	v40 =	vld [tilespmem:s24+$0xC110];
	[tilespmem:s21+$0x1520] =	vst v8;
	v6 =	vadd.f32 v6, v16  }
0x118: {  	v41 =	vld [tilespmem:s24+$0xC120];
	[tilespmem:s21+$0x1530] =	vst v7;
	v5 =	vadd.f32 v5, v15  }
0x119: {  	v42 =	vld [tilespmem:s24+$0xC130];
	[tilespmem:s21+$0x1540] =	vst v6;
	v4 =	vadd.f32 v4, v11  }
0x11a: {  	v43 =	vld [tilespmem:s24+$0xC140];
	[tilespmem:s21+$0x1550] =	vst v5;
	v3 =	vadd.f32 v3, v10  }
0x11b: {  	v44 =	vld [tilespmem:s24+$0xC150];
	[tilespmem:s21+$0x1560] =	vst v4  }
0x11c: {  	v45 =	vld [tilespmem:s24+$0xC160];
	[tilespmem:s21+$0x1570] =	vst v3;
	s21 =	smov.u32 s24  }
0x11d: {  	v46 =	vld [tilespmem:s21+$0xC170]  }
0x11e: {  	v47 =	vld [tilespmem:s21+$0xC500]  }
0x11f: {  	v48 =	vld [tilespmem:s21+$0xC510]  }
0x120: {  	v49 =	vld [tilespmem:s21+$0xC520]  }
0x121: {  	v50 =	vld [tilespmem:s21+$0xC530]  }
0x122: {  	v38 =	vld [tilespmem:s21+$0xC540]  }
0x123: {  	v37 =	vld [tilespmem:s21+$0xC550]  }
0x124: {  	v36 =	vld [tilespmem:s21+$0xC560]  }
0x125: {  	v35 =	vld [tilespmem:s21+$0xC570]  }
0x126: {  	v34 =	vld [tilespmem:s21+$0xC900]  }
0x127: {  	v33 =	vld [tilespmem:s21+$0xC910]  }
0x128: {  	v32 =	vld [tilespmem:s21+$0xC920]  }
0x129: {  	v31 =	vld [tilespmem:s21+$0xC930]  }
0x12a: {  	v30 =	vld [tilespmem:s21+$0xC940]  }
0x12b: {  	v29 =	vld [tilespmem:s21+$0xC950]  }
0x12c: {  	v28 =	vld [tilespmem:s21+$0xC960]  }
0x12d: {  	v27 =	vld [tilespmem:s21+$0xC970]  }
0x12e: {  	v26 =	vld [tilespmem:s21+$0xCD00]  }
0x12f: {  	v25 =	vld [tilespmem:s21+$0xCD10]  }
0x130: {  	v24 =	vld [tilespmem:s21+$0xCD20]  }
0x131: {  	v23 =	vld [tilespmem:s21+$0xCD30]  }
0x132: {  	v22 =	vld [tilespmem:s21+$0xCD40]  }
0x133: {  	v21 =	vld [tilespmem:s21+$0xCD50]  }
0x134: {  	v20 =	vld [tilespmem:s21+$0xCD60]  }
0x135: {  	v19 =	vld [tilespmem:s21+$0xCD70]  }
0x136: {  	v18 =	vld [tilespmem:s21+$0xD100]  }
0x137: {  	v17 =	vld [tilespmem:s21+$0xD110]  }
0x138: {  	v16 =	vld [tilespmem:s21+$0xD120]  }
0x139: {  	v15 =	vld [tilespmem:s21+$0xD130]  }
0x13a: {  	v14 =	vld [tilespmem:s21+$0xD140]  }
0x13b: {  	v13 =	vld [tilespmem:s21+$0xD150]  }
0x13c: {  	v12 =	vld [tilespmem:s21+$0xD160]  }
0x13d: {  	v11 =	vld [tilespmem:s21+$0xD170]  }
0x13e: {  	v10 =	vld [tilespmem:s21+$0xD500]  }
0x13f: {  	v9 =	vld [tilespmem:s21+$0xD510]  }
0x140: {  	v8 =	vld [tilespmem:s21+$0xD520]  }
0x141: {  	v7 =	vld [tilespmem:s21+$0xD530]  }
0x142: {  	v6 =	vld [tilespmem:s21+$0xD540]  }
0x143: {  	v5 =	vld [tilespmem:s21+$0xD550]  }
0x144: {  	v4 =	vld [tilespmem:s21+$0xD560]  }
0x145: {  	v3 =	vld [tilespmem:s21+$0xD570]  }
0x146: {  	v51 =	vld [tilespmem:s21+$0x100]  }
0x147: {  	v52 =	vld [tilespmem:s21+$0x110]  }
0x148: {  	v53 =	vld [tilespmem:s21+$0x120]  }
0x149: {  	v54 =	vld [tilespmem:s21+$0x130]  }
0x14a: {  	v55 =	vld [tilespmem:s21+$0x140]  }
0x14b: {  	v39 =	vadd.f32 v39, v51;
	v51 =	vld [tilespmem:s21+$0x150]  }
0x14c: {  	v40 =	vadd.f32 v40, v52;
	v52 =	vld [tilespmem:s21+$0x160]  }
0x14d: {  	[tilespmem:s21+$0x100] =	vst v39;
	v39 =	vadd.f32 v41, v53;
	v41 =	vld [tilespmem:s21+$0x170]  }
0x14e: {  	[tilespmem:s21+$0x110] =	vst v40;
	v40 =	vadd.f32 v42, v54;
	v42 =	vld [tilespmem:s21+$0x500]  }
0x14f: {  	[tilespmem:s21+$0x120] =	vst v39;
	v39 =	vadd.f32 v43, v55;
	v43 =	vld [tilespmem:s21+$0x510]  }
0x150: {  	[tilespmem:s21+$0x130] =	vst v40;
	v40 =	vadd.f32 v44, v51;
	v44 =	vld [tilespmem:s21+$0x520]  }
0x151: {  	[tilespmem:s21+$0x140] =	vst v39;
	v39 =	vadd.f32 v45, v52;
	v45 =	vld [tilespmem:s21+$0x530]  }
0x152: {  	[tilespmem:s21+$0x150] =	vst v40;
	v40 =	vadd.f32 v46, v41;
	v41 =	vld [tilespmem:s21+$0x540]  }
0x153: {  	[tilespmem:s21+$0x160] =	vst v39;
	v39 =	vadd.f32 v47, v42;
	v42 =	vld [tilespmem:s21+$0x550]  }
0x154: {  	[tilespmem:s21+$0x170] =	vst v40;
	v40 =	vadd.f32 v48, v43;
	v43 =	vld [tilespmem:s21+$0x560]  }
0x155: {  	[tilespmem:s21+$0x500] =	vst v39;
	v39 =	vadd.f32 v49, v44;
	v44 =	vld [tilespmem:s21+$0x570]  }
0x156: {  	[tilespmem:s21+$0x510] =	vst v40;
	v40 =	vadd.f32 v50, v45;
	v45 =	vld [tilespmem:s21+$0x900]  }
0x157: {  	[tilespmem:s21+$0x520] =	vst v39;
	v38 =	vadd.f32 v38, v41;
	v39 =	vld [tilespmem:s21+$0x910]  }
0x158: {  	[tilespmem:s21+$0x530] =	vst v40;
	v37 =	vadd.f32 v37, v42;
	v40 =	vld [tilespmem:s21+$0x920]  }
0x159: {  	[tilespmem:s21+$0x540] =	vst v38;
	v36 =	vadd.f32 v36, v43;
	v38 =	vld [tilespmem:s21+$0x930]  }
0x15a: {  	[tilespmem:s21+$0x550] =	vst v37;
	v35 =	vadd.f32 v35, v44;
	v37 =	vld [tilespmem:s21+$0x940]  }
0x15b: {  	[tilespmem:s21+$0x560] =	vst v36;
	v34 =	vadd.f32 v34, v45;
	v36 =	vld [tilespmem:s21+$0x950]  }
0x15c: {  	[tilespmem:s21+$0x570] =	vst v35;
	v33 =	vadd.f32 v33, v39;
	v35 =	vld [tilespmem:s21+$0x960]  }
0x15d: {  	[tilespmem:s21+$0x900] =	vst v34;
	v32 =	vadd.f32 v32, v40;
	v34 =	vld [tilespmem:s21+$0x970]  }
0x15e: {  	[tilespmem:s21+$0x910] =	vst v33;
	v31 =	vadd.f32 v31, v38;
	v33 =	vld [tilespmem:s21+$0xD00]  }
0x15f: {  	[tilespmem:s21+$0x920] =	vst v32;
	v30 =	vadd.f32 v30, v37;
	v32 =	vld [tilespmem:s21+$0xD10]  }
0x160: {  	[tilespmem:s21+$0x930] =	vst v31;
	v29 =	vadd.f32 v29, v36;
	v31 =	vld [tilespmem:s21+$0xD20]  }
0x161: {  	[tilespmem:s21+$0x940] =	vst v30;
	v28 =	vadd.f32 v28, v35;
	v30 =	vld [tilespmem:s21+$0xD30]  }
0x162: {  	[tilespmem:s21+$0x950] =	vst v29;
	v27 =	vadd.f32 v27, v34;
	v29 =	vld [tilespmem:s21+$0xD40]  }
0x163: {  	[tilespmem:s21+$0x960] =	vst v28;
	v26 =	vadd.f32 v26, v33;
	v28 =	vld [tilespmem:s21+$0xD50]  }
0x164: {  	[tilespmem:s21+$0x970] =	vst v27;
	v25 =	vadd.f32 v25, v32;
	v27 =	vld [tilespmem:s21+$0xD60]  }
0x165: {  	[tilespmem:s21+$0xD00] =	vst v26;
	v24 =	vadd.f32 v24, v31;
	v26 =	vld [tilespmem:s21+$0xD70]  }
0x166: {  	[tilespmem:s21+$0xD10] =	vst v25;
	v23 =	vadd.f32 v23, v30;
	v25 =	vld [tilespmem:s21+$0x1100]  }
0x167: {  	[tilespmem:s21+$0xD20] =	vst v24;
	v22 =	vadd.f32 v22, v29;
	v24 =	vld [tilespmem:s21+$0x1110]  }
0x168: {  	[tilespmem:s21+$0xD30] =	vst v23;
	v21 =	vadd.f32 v21, v28;
	v23 =	vld [tilespmem:s21+$0x1120]  }
0x169: {  	[tilespmem:s21+$0xD40] =	vst v22;
	v20 =	vadd.f32 v20, v27;
	v22 =	vld [tilespmem:s21+$0x1130]  }
0x16a: {  	[tilespmem:s21+$0xD50] =	vst v21;
	v19 =	vadd.f32 v19, v26;
	v21 =	vld [tilespmem:s21+$0x1140]  }
0x16b: {  	[tilespmem:s21+$0xD60] =	vst v20;
	v18 =	vadd.f32 v18, v25;
	v20 =	vld [tilespmem:s21+$0x1150]  }
0x16c: {  	[tilespmem:s21+$0xD70] =	vst v19;
	v17 =	vadd.f32 v17, v24;
	v19 =	vld [tilespmem:s21+$0x1160]  }
.Ltmp0:
0x16d: {  	[tilespmem:s21+$0x1100] =	vst v18;
	v18 =	vadd.f32 v16, v23;
	v16 =	vld [tilespmem:s21+$0x1170];
	(pc) =	sbr.rel @p0 .LBB2_2-.Ltmp0, $4  }
0x16e: {  	[tilespmem:s21+$0x1110] =	vst v17;
	v17 =	vadd.f32 v15, v22;
	v15 =	vld [tilespmem:s21+$0x1500]  }
0x16f: {  	[tilespmem:s21+$0x1120] =	vst v18;
	v21 =	vadd.f32 v14, v21;
	v14 =	vld [tilespmem:s21+$0x1510]  }
0x170: {  	[tilespmem:s21+$0x1130] =	vst v17;
	v18 =	vadd.f32 v13, v20;
	v13 =	vld [tilespmem:s21+$0x1520]  }
0x171: {  	s22 =	sadd.s32 $0x1, s22;
	[tilespmem:s21+$0x1140] =	vst v21;
	v17 =	vadd.f32 v12, v19;
	v12 =	vld [tilespmem:s21+$0x1530]  }
0x172: {  	[tilespmem:s21+$0x1150] =	vst v18;
	v60 =	vld [tilespmem:s21+$0x1540];
	v11 =	vadd.f32 v11, v16  }
0x173: {  	v61 =	vld [tilespmem:s21+$0x1550];
	[tilespmem:s21+$0x1160] =	vst v17;
	v10 =	vadd.f32 v10, v15  }
0x174: {  	v62 =	vld [tilespmem:s21+$0x1560];
	[tilespmem:s21+$0x1170] =	vst v11;
	v9 =	vadd.f32 v9, v14  }
0x175: {  	v63 =	vld [tilespmem:s21+$0x1570];
	[tilespmem:s21+$0x1500] =	vst v10;
	v8 =	vadd.f32 v8, v13  }
0x176: {  	[tilespmem:s21+$0x1510] =	vst v9;
	v7 =	vadd.f32 v7, v12  }
0x177: {  	[tilespmem:s21+$0x1520] =	vst v8;
	v6 =	vadd.f32 v6, v60  }
0x178: {  	v5 =	vadd.f32 v5, v61;
	[tilespmem:s21+$0x1530] =	vst v7  }
0x179: {  	v4 =	vadd.f32 v4, v62;
	[tilespmem:s21+$0x1540] =	vst v6  }
0x17a: {  	s20 =	sadd.s32 $0x1, s20;
	v3 =	vadd.f32 v3, v63;
	[tilespmem:s21+$0x1550] =	vst v5  }
0x17b: {  	p0 =	sne.s32 s20, s9;
	[tilespmem:s21+$0x1560] =	vst v4  }
.Ltmp1:
0x17c: {  	[tilespmem:s21+$0x1570] =	vst v3;
	(pc) =	sbr.rel @p0 .LBB2_1-.Ltmp1, $4  }
0x17d: {  	[hbm4b:s8+s2] =	stream.linear.scatter [tilespmem:s12], [sflag:$0x2], $0xC000, $0x38;
	[tilespmem:$0x18100] =	vst v63  }
0x17e: {  	_ =	swait.ge [sflag:s10], $0xC000  }
0x17f: {  	[sflag:s10] =	ssyncset.done $0x0  }
0x180: {  	[sflag:s10] =	ssyncadd.s32 $0xFFFF4000  }
0x181: {  	_ =	sfence.sel $0x180000  }
0x182: {  	[bflag:$0x0] =	sbarrier.arrive $0xFFFF  }
0x183: {  	_ =	strace $0x9000004A  }
0x184: {  	s0 =	stileid.u32;
	[bflag:$0x2] =	sbarrier.arrive $0xFFFF  }
0x185: {  	p0 =	sne.s32 s0, $0x0;
	s0 =	rddreg [dreg:$0x2]  }
0x186: {  	s0 =	sadd.s32 @!p0 $0x100000, s0  }
0x187: {  	[sflag:s0] =	ssyncadd.tile.s32 @!p0 $0x1;
	_ =	shalt  }
.Lfunc_end2:
_tile_overlayer_lowered:
.L_overlay_start_2:
0x188: {  	(tag) =	ssettag $0x2  }
0x189: {  	s0 =	rddreg [dreg:$0x0];
	s2 =	stileid.u32  }
0x18a: {  	s1 =	rddreg [dreg:$0x1];
	p0 =	sne.s32 s2, $0x0  }
0x18b: {  	s3 =	rddreg [dreg:$0x2];
	[bflag:$0x3] =	sbarrier.arrive $0xFFFF;
	s2 =	simm.s32 @!p0 $0x1C02  }
0x18c: {  	[timem:s3], [sflag:s2] =	dma.local @!p0 [hbm:s0], s1  }
0x18d: {  	s0 =	simm.s32 @!p0 $0x2  }
0x18e: {  	_ =	swait.ge @!p0 [sflag:s0], s1  }
0x18f: {  	s1 =	ssub.s32 @!p0 $0x0, s1;
	[sflag:s0] =	ssyncset.done @!p0 $0x0  }
0x190: {  	[sflag:s0] =	ssyncadd.s32 @!p0 s1  }
0x191: {  	[bflag:$0x3] =	sbarrier.arrive $0xFFFF  }
0x192: {  	_ =	shalt  }

</sc_bundles>
